<compile_context>
chip_gen: v7x
topology: tpu7x:2x2x1
jax: 0.10.2.dev20260603
libtpu: 0.0.44.dev20260713+nightly
codegen_flags: <defaults>
</compile_context>

<pallas_src>
import functools

import jax
import jax.numpy as jnp
from jax import lax
from jax.experimental import pallas as pl
from jax.experimental.pallas import tpu as pltpu
from jax.experimental.pallas import tpu_sc as plsc

VOCAB = 1000000
EMBED_DIM = 64
BATCH = 4096
HIST = 50

N = BATCH * HIST
NC = 2
NS = 16
NW = NC * NS
PER_W = N // NW
CHUNK = 800
NCHUNK = PER_W // CHUNK

_MESH = plsc.VectorSubcoreMesh(core_axis_name="c", subcore_axis_name="s")


def _body(x1_hbm, x2_hbm, table_hbm, out1_hbm, out2_hbm,
          idx0, idx1, rows0, rows1, sem0, sem1):
    wid = lax.axis_index("s") * NC + lax.axis_index("c")
    base = wid * PER_W

    idx_bufs = (idx0, idx1)
    row_bufs = (rows0, rows1)
    sems = (sem0, sem1)

    sched = [(x1_hbm, out1_hbm, c) for c in range(NCHUNK)]
    sched += [(x2_hbm, out2_hbm, c) for c in range(NCHUNK)]

    handles = [None, None]
    for k, (src, dst, c) in enumerate(sched):
        b = k & 1
        off = base + c * CHUNK
        pltpu.sync_copy(src.at[pl.ds(off, CHUNK)], idx_bufs[b])
        handles[b] = pltpu.async_copy(table_hbm.at[idx_bufs[b]],
                                      row_bufs[b], sems[b])
        if k > 0:
            pb = 1 - b
            _, pdst, pc = sched[k - 1]
            handles[pb].wait()
            pltpu.sync_copy(row_bufs[pb],
                            pdst.at[pl.ds(base + pc * CHUNK, CHUNK)])
    lb = (len(sched) - 1) & 1
    _, ldst, lc = sched[-1]
    handles[lb].wait()
    pltpu.sync_copy(row_bufs[lb], ldst.at[pl.ds(base + lc * CHUNK, CHUNK)])


_sc_kernel = functools.partial(
    pl.kernel,
    out_type=(jax.ShapeDtypeStruct((N, EMBED_DIM), jnp.float32),
              jax.ShapeDtypeStruct((N, EMBED_DIM), jnp.float32)),
    mesh=_MESH,
    scratch_types=[
        pltpu.VMEM((CHUNK,), jnp.int32),
        pltpu.VMEM((CHUNK,), jnp.int32),
        pltpu.VMEM((CHUNK, EMBED_DIM), jnp.float32),
        pltpu.VMEM((CHUNK, EMBED_DIM), jnp.float32),
        pltpu.SemaphoreType.DMA,
        pltpu.SemaphoreType.DMA,
    ],
    compiler_params=pltpu.CompilerParams(use_tc_tiling_on_sc=False),
)(_body)


def kernel(x1, x2, table):
    f1 = x1.reshape(-1).astype(jnp.int32)
    f2 = x2.reshape(-1).astype(jnp.int32)
    o1, o2 = _sc_kernel(f1, f2, table)
    return (o1.reshape(BATCH, HIST, EMBED_DIM),
            o2.reshape(BATCH, HIST, EMBED_DIM))

# --- scband reference (transcript-rebuilt; emitter-appended) ---
"""Pipeline reference for scband-embeddinglayer-4733053960689 (READ-ONLY COPY).

The authoritative reference and input builder live on the scoring server;
editing this copy changes nothing except your own understanding.
"""

import jax, jax.numpy as jnp
import numpy as np

VOCAB = 1000000
EMBED_DIM = 64
BATCH = 4096
HIST = 50


def setup_inputs(seed: int = 0) -> dict:
    key = jax.random.key(seed)
    k1, k2, k3 = jax.random.split(key, 3)
    x1 = jax.random.randint(k1, (BATCH, HIST), 0, VOCAB, dtype=jnp.int64 if jax.config.jax_enable_x64 else jnp.int32)
    x2 = jax.random.randint(k2, (BATCH, HIST), 0, VOCAB, dtype=jnp.int64 if jax.config.jax_enable_x64 else jnp.int32)
    # embedding table: torch init_weights uses uniform(-0.1, 0.1); padding_idx=0 row is zero
    table = jax.random.uniform(k3, (VOCAB, EMBED_DIM), minval=-0.1, maxval=0.1, dtype=jnp.float32)
    table = table.at[0].set(0.0)
    return {"x1": x1, "x2": x2, "table": table}


def reference(x1, x2, table):
    # nn.Embedding lookup for both sentence tensors
    e1 = jnp.take(table, x1, axis=0)
    e2 = jnp.take(table, x2, axis=0)
    return (e1, e2)

if __name__ == "__main__":
    import jax
    _d = setup_inputs()
    print(jax.jit(kernel)(*tuple(_d.values())))

</pallas_src>

<mosaic_0001>
#map = affine_map<(d0, d1) -> (0)>
#map1 = affine_map<(d0, d1) -> (0, 0)>
module attributes {stable_mosaic.version = 14 : i64} {
  func.func @_body(%arg0: i32, %arg1: i32, %arg2: memref<204800xi32, #tpu.memory_space<hbm>>, %arg3: memref<204800xi32, #tpu.memory_space<hbm>>, %arg4: memref<1000000x64xf32, #tpu.memory_space<hbm>>, %arg5: memref<204800x64xf32, #tpu.memory_space<hbm>>, %arg6: memref<204800x64xf32, #tpu.memory_space<hbm>>, %arg7: memref<800xi32, #tpu.memory_space<vmem>>, %arg8: memref<800xi32, #tpu.memory_space<vmem>>, %arg9: memref<800x64xf32, #tpu.memory_space<vmem>>, %arg10: memref<800x64xf32, #tpu.memory_space<vmem>>, %arg11: memref<!tpu.dma_semaphore, #tpu.memory_space<semaphore_mem>>, %arg12: memref<!tpu.dma_semaphore, #tpu.memory_space<semaphore_mem>>) attributes {dimension_semantics = [#tpu.dimension_semantics<core_parallel>, #tpu.dimension_semantics<subcore_parallel>], iteration_bounds = array<i64: 2, 16>, scalar_prefetch = 0 : i64, scratch_operands = 6 : i64, tpu.core_type = #tpu.core_type<sc_vector_subcore>, window_params = [{transform_indices = #map}, {transform_indices = #map}, {transform_indices = #map1}, {transform_indices = #map1}, {transform_indices = #map1}]} {
    %mul3A = arith.constant 2 : i32
    %mul3A_0 = arith.muli %arg1, %mul3A : i32
    %add3A = arith.addi %mul3A_0, %arg0 : i32
    %mul3A_1 = arith.constant 6400 : i32
    %mul3A_2 = arith.muli %add3A, %mul3A_1 : i32
    %add3A_3 = arith.constant 0 : i32
    %add3A_4 = arith.addi %mul3A_2, %add3A_3 : i32
    "tpu.region"() ({
      %run_scoped3A = tpu.sem_alloc : memref<!tpu.dma_semaphore, #tpu.memory_space<semaphore_mem>>
      %dma_start3A_161 = tpu.memref_slice %arg2[%add3A_4] : memref<204800xi32, #tpu.memory_space<hbm>> -> memref<800xi32, #tpu.memory_space<hbm>>
      %dma_start3A_162 = tpu.memref_slice %arg2[%add3A_4] : memref<204800xi32, #tpu.memory_space<hbm>> -> memref<800xi32, #tpu.memory_space<hbm>>
      tpu.enqueue_dma source(%dma_start3A_162 : memref<800xi32, #tpu.memory_space<hbm>>) target(%arg7 : memref<800xi32, #tpu.memory_space<vmem>>) target_semaphore(%run_scoped3A : memref<!tpu.dma_semaphore, #tpu.memory_space<semaphore_mem>>)
      %dma_wait3A_163 = tpu.memref_slice %arg2[%add3A_4] : memref<204800xi32, #tpu.memory_space<hbm>> -> memref<800xi32, #tpu.memory_space<hbm>>
      %dma_wait3A_164 = tpu.memref_slice %arg2[%add3A_4] : memref<204800xi32, #tpu.memory_space<hbm>> -> memref<800xi32, #tpu.memory_space<hbm>>
      tpu.wait_dma2 semaphore(%run_scoped3A : memref<!tpu.dma_semaphore, #tpu.memory_space<semaphore_mem>>) src(%dma_wait3A_164 : memref<800xi32, #tpu.memory_space<hbm>>) dst(%arg7 : memref<800xi32, #tpu.memory_space<vmem>>)
      tpu.yield
    }) : () -> ()
    %dma_start3A = arith.constant 0 : i32
    %dma_start3A_5 = arith.constant 0 : i32
    %dma_start3A_6 = tpu.memref_slice %arg4[%dma_start3A, %dma_start3A_5] : memref<1000000x64xf32, #tpu.memory_space<hbm>> -> memref<1000000x64xf32, #tpu.memory_space<hbm>>
    tpu.enqueue_indirect_dma source(%dma_start3A_6 : memref<1000000x64xf32, #tpu.memory_space<hbm>>) target(%arg9 : memref<800x64xf32, #tpu.memory_space<vmem>>) offsets(%arg7 : memref<800xi32, #tpu.memory_space<vmem>>) semaphore(%arg11 : memref<!tpu.dma_semaphore, #tpu.memory_space<semaphore_mem>>)
    %add3A_7 = arith.constant 800 : i32
    %add3A_8 = arith.addi %mul3A_2, %add3A_7 : i32
    "tpu.region"() ({
      %run_scoped3A = tpu.sem_alloc : memref<!tpu.dma_semaphore, #tpu.memory_space<semaphore_mem>>
      %dma_start3A_161 = tpu.memref_slice %arg2[%add3A_8] : memref<204800xi32, #tpu.memory_space<hbm>> -> memref<800xi32, #tpu.memory_space<hbm>>
      %dma_start3A_162 = tpu.memref_slice %arg2[%add3A_8] : memref<204800xi32, #tpu.memory_space<hbm>> -> memref<800xi32, #tpu.memory_space<hbm>>
      tpu.enqueue_dma source(%dma_start3A_162 : memref<800xi32, #tpu.memory_space<hbm>>) target(%arg8 : memref<800xi32, #tpu.memory_space<vmem>>) target_semaphore(%run_scoped3A : memref<!tpu.dma_semaphore, #tpu.memory_space<semaphore_mem>>)
      %dma_wait3A_163 = tpu.memref_slice %arg2[%add3A_8] : memref<204800xi32, #tpu.memory_space<hbm>> -> memref<800xi32, #tpu.memory_space<hbm>>
      %dma_wait3A_164 = tpu.memref_slice %arg2[%add3A_8] : memref<204800xi32, #tpu.memory_space<hbm>> -> memref<800xi32, #tpu.memory_space<hbm>>
      tpu.wait_dma2 semaphore(%run_scoped3A : memref<!tpu.dma_semaphore, #tpu.memory_space<semaphore_mem>>) src(%dma_wait3A_164 : memref<800xi32, #tpu.memory_space<hbm>>) dst(%arg8 : memref<800xi32, #tpu.memory_space<vmem>>)
      tpu.yield
    }) : () -> ()
    %dma_start3A_9 = arith.constant 0 : i32
    %dma_start3A_10 = arith.constant 0 : i32
    %dma_start3A_11 = tpu.memref_slice %arg4[%dma_start3A_9, %dma_start3A_10] : memref<1000000x64xf32, #tpu.memory_space<hbm>> -> memref<1000000x64xf32, #tpu.memory_space<hbm>>
    tpu.enqueue_indirect_dma source(%dma_start3A_11 : memref<1000000x64xf32, #tpu.memory_space<hbm>>) target(%arg10 : memref<800x64xf32, #tpu.memory_space<vmem>>) offsets(%arg8 : memref<800xi32, #tpu.memory_space<vmem>>) semaphore(%arg12 : memref<!tpu.dma_semaphore, #tpu.memory_space<semaphore_mem>>)
    %dma_wait3A = arith.constant 0 : i32
    %dma_wait3A_12 = arith.constant 0 : i32
    %dma_wait3A_13 = tpu.memref_slice %arg4[%dma_wait3A, %dma_wait3A_12] : memref<1000000x64xf32, #tpu.memory_space<hbm>> -> memref<1000000x64xf32, #tpu.memory_space<hbm>>
    tpu.wait_indirect_dma semaphore(%arg11 : memref<!tpu.dma_semaphore, #tpu.memory_space<semaphore_mem>>) src(%dma_wait3A_13 : memref<1000000x64xf32, #tpu.memory_space<hbm>>) dst(%arg9 : memref<800x64xf32, #tpu.memory_space<vmem>>)
    %add3A_14 = arith.constant 0 : i32
    %add3A_15 = arith.addi %mul3A_2, %add3A_14 : i32
    "tpu.region"() ({
      %run_scoped3A = tpu.sem_alloc : memref<!tpu.dma_semaphore, #tpu.memory_space<semaphore_mem>>
      %dma_start3A_161 = arith.constant 0 : i32
      %dma_start3A_162 = tpu.memref_slice %arg5[%add3A_15, %dma_start3A_161] : memref<204800x64xf32, #tpu.memory_space<hbm>> -> memref<800x64xf32, #tpu.memory_space<hbm>>
      %dma_start3A_163 = arith.constant 0 : i32
      %dma_start3A_164 = tpu.memref_slice %arg5[%add3A_15, %dma_start3A_163] : memref<204800x64xf32, #tpu.memory_space<hbm>> -> memref<800x64xf32, #tpu.memory_space<hbm>>
      tpu.enqueue_dma source(%arg9 : memref<800x64xf32, #tpu.memory_space<vmem>>) target(%dma_start3A_164 : memref<800x64xf32, #tpu.memory_space<hbm>>) target_semaphore(%run_scoped3A : memref<!tpu.dma_semaphore, #tpu.memory_space<semaphore_mem>>)
      %dma_wait3A_165 = arith.constant 0 : i32
      %dma_wait3A_166 = tpu.memref_slice %arg5[%add3A_15, %dma_wait3A_165] : memref<204800x64xf32, #tpu.memory_space<hbm>> -> memref<800x64xf32, #tpu.memory_space<hbm>>
      %dma_wait3A_167 = arith.constant 0 : i32
      %dma_wait3A_168 = tpu.memref_slice %arg5[%add3A_15, %dma_wait3A_167] : memref<204800x64xf32, #tpu.memory_space<hbm>> -> memref<800x64xf32, #tpu.memory_space<hbm>>
      tpu.wait_dma2 semaphore(%run_scoped3A : memref<!tpu.dma_semaphore, #tpu.memory_space<semaphore_mem>>) src(%arg9 : memref<800x64xf32, #tpu.memory_space<vmem>>) dst(%dma_wait3A_168 : memref<800x64xf32, #tpu.memory_space<hbm>>)
      tpu.yield
    }) : () -> ()
    %add3A_16 = arith.constant 1600 : i32
    %add3A_17 = arith.addi %mul3A_2, %add3A_16 : i32
    "tpu.region"() ({
      %run_scoped3A = tpu.sem_alloc : memref<!tpu.dma_semaphore, #tpu.memory_space<semaphore_mem>>
      %dma_start3A_161 = tpu.memref_slice %arg2[%add3A_17] : memref<204800xi32, #tpu.memory_space<hbm>> -> memref<800xi32, #tpu.memory_space<hbm>>
      %dma_start3A_162 = tpu.memref_slice %arg2[%add3A_17] : memref<204800xi32, #tpu.memory_space<hbm>> -> memref<800xi32, #tpu.memory_space<hbm>>
      tpu.enqueue_dma source(%dma_start3A_162 : memref<800xi32, #tpu.memory_space<hbm>>) target(%arg7 : memref<800xi32, #tpu.memory_space<vmem>>) target_semaphore(%run_scoped3A : memref<!tpu.dma_semaphore, #tpu.memory_space<semaphore_mem>>)
      %dma_wait3A_163 = tpu.memref_slice %arg2[%add3A_17] : memref<204800xi32, #tpu.memory_space<hbm>> -> memref<800xi32, #tpu.memory_space<hbm>>
      %dma_wait3A_164 = tpu.memref_slice %arg2[%add3A_17] : memref<204800xi32, #tpu.memory_space<hbm>> -> memref<800xi32, #tpu.memory_space<hbm>>
      tpu.wait_dma2 semaphore(%run_scoped3A : memref<!tpu.dma_semaphore, #tpu.memory_space<semaphore_mem>>) src(%dma_wait3A_164 : memref<800xi32, #tpu.memory_space<hbm>>) dst(%arg7 : memref<800xi32, #tpu.memory_space<vmem>>)
      tpu.yield
    }) : () -> ()
    %dma_start3A_18 = arith.constant 0 : i32
    %dma_start3A_19 = arith.constant 0 : i32
    %dma_start3A_20 = tpu.memref_slice %arg4[%dma_start3A_18, %dma_start3A_19] : memref<1000000x64xf32, #tpu.memory_space<hbm>> -> memref<1000000x64xf32, #tpu.memory_space<hbm>>
    tpu.enqueue_indirect_dma source(%dma_start3A_20 : memref<1000000x64xf32, #tpu.memory_space<hbm>>) target(%arg9 : memref<800x64xf32, #tpu.memory_space<vmem>>) offsets(%arg7 : memref<800xi32, #tpu.memory_space<vmem>>) semaphore(%arg11 : memref<!tpu.dma_semaphore, #tpu.memory_space<semaphore_mem>>)
    %dma_wait3A_21 = arith.constant 0 : i32
    %dma_wait3A_22 = arith.constant 0 : i32
    %dma_wait3A_23 = tpu.memref_slice %arg4[%dma_wait3A_21, %dma_wait3A_22] : memref<1000000x64xf32, #tpu.memory_space<hbm>> -> memref<1000000x64xf32, #tpu.memory_space<hbm>>
    tpu.wait_indirect_dma semaphore(%arg12 : memref<!tpu.dma_semaphore, #tpu.memory_space<semaphore_mem>>) src(%dma_wait3A_23 : memref<1000000x64xf32, #tpu.memory_space<hbm>>) dst(%arg10 : memref<800x64xf32, #tpu.memory_space<vmem>>)
    %add3A_24 = arith.constant 800 : i32
    %add3A_25 = arith.addi %mul3A_2, %add3A_24 : i32
    "tpu.region"() ({
      %run_scoped3A = tpu.sem_alloc : memref<!tpu.dma_semaphore, #tpu.memory_space<semaphore_mem>>
      %dma_start3A_161 = arith.constant 0 : i32
      %dma_start3A_162 = tpu.memref_slice %arg5[%add3A_25, %dma_start3A_161] : memref<204800x64xf32, #tpu.memory_space<hbm>> -> memref<800x64xf32, #tpu.memory_space<hbm>>
      %dma_start3A_163 = arith.constant 0 : i32
      %dma_start3A_164 = tpu.memref_slice %arg5[%add3A_25, %dma_start3A_163] : memref<204800x64xf32, #tpu.memory_space<hbm>> -> memref<800x64xf32, #tpu.memory_space<hbm>>
      tpu.enqueue_dma source(%arg10 : memref<800x64xf32, #tpu.memory_space<vmem>>) target(%dma_start3A_164 : memref<800x64xf32, #tpu.memory_space<hbm>>) target_semaphore(%run_scoped3A : memref<!tpu.dma_semaphore, #tpu.memory_space<semaphore_mem>>)
      %dma_wait3A_165 = arith.constant 0 : i32
      %dma_wait3A_166 = tpu.memref_slice %arg5[%add3A_25, %dma_wait3A_165] : memref<204800x64xf32, #tpu.memory_space<hbm>> -> memref<800x64xf32, #tpu.memory_space<hbm>>
      %dma_wait3A_167 = arith.constant 0 : i32
      %dma_wait3A_168 = tpu.memref_slice %arg5[%add3A_25, %dma_wait3A_167] : memref<204800x64xf32, #tpu.memory_space<hbm>> -> memref<800x64xf32, #tpu.memory_space<hbm>>
      tpu.wait_dma2 semaphore(%run_scoped3A : memref<!tpu.dma_semaphore, #tpu.memory_space<semaphore_mem>>) src(%arg10 : memref<800x64xf32, #tpu.memory_space<vmem>>) dst(%dma_wait3A_168 : memref<800x64xf32, #tpu.memory_space<hbm>>)
      tpu.yield
    }) : () -> ()
    %add3A_26 = arith.constant 2400 : i32
    %add3A_27 = arith.addi %mul3A_2, %add3A_26 : i32
    "tpu.region"() ({
      %run_scoped3A = tpu.sem_alloc : memref<!tpu.dma_semaphore, #tpu.memory_space<semaphore_mem>>
      %dma_start3A_161 = tpu.memref_slice %arg2[%add3A_27] : memref<204800xi32, #tpu.memory_space<hbm>> -> memref<800xi32, #tpu.memory_space<hbm>>
      %dma_start3A_162 = tpu.memref_slice %arg2[%add3A_27] : memref<204800xi32, #tpu.memory_space<hbm>> -> memref<800xi32, #tpu.memory_space<hbm>>
      tpu.enqueue_dma source(%dma_start3A_162 : memref<800xi32, #tpu.memory_space<hbm>>) target(%arg8 : memref<800xi32, #tpu.memory_space<vmem>>) target_semaphore(%run_scoped3A : memref<!tpu.dma_semaphore, #tpu.memory_space<semaphore_mem>>)
      %dma_wait3A_163 = tpu.memref_slice %arg2[%add3A_27] : memref<204800xi32, #tpu.memory_space<hbm>> -> memref<800xi32, #tpu.memory_space<hbm>>
      %dma_wait3A_164 = tpu.memref_slice %arg2[%add3A_27] : memref<204800xi32, #tpu.memory_space<hbm>> -> memref<800xi32, #tpu.memory_space<hbm>>
      tpu.wait_dma2 semaphore(%run_scoped3A : memref<!tpu.dma_semaphore, #tpu.memory_space<semaphore_mem>>) src(%dma_wait3A_164 : memref<800xi32, #tpu.memory_space<hbm>>) dst(%arg8 : memref<800xi32, #tpu.memory_space<vmem>>)
      tpu.yield
    }) : () -> ()
    %dma_start3A_28 = arith.constant 0 : i32
    %dma_start3A_29 = arith.constant 0 : i32
    %dma_start3A_30 = tpu.memref_slice %arg4[%dma_start3A_28, %dma_start3A_29] : memref<1000000x64xf32, #tpu.memory_space<hbm>> -> memref<1000000x64xf32, #tpu.memory_space<hbm>>
    tpu.enqueue_indirect_dma source(%dma_start3A_30 : memref<1000000x64xf32, #tpu.memory_space<hbm>>) target(%arg10 : memref<800x64xf32, #tpu.memory_space<vmem>>) offsets(%arg8 : memref<800xi32, #tpu.memory_space<vmem>>) semaphore(%arg12 : memref<!tpu.dma_semaphore, #tpu.memory_space<semaphore_mem>>)
    %dma_wait3A_31 = arith.constant 0 : i32
    %dma_wait3A_32 = arith.constant 0 : i32
    %dma_wait3A_33 = tpu.memref_slice %arg4[%dma_wait3A_31, %dma_wait3A_32] : memref<1000000x64xf32, #tpu.memory_space<hbm>> -> memref<1000000x64xf32, #tpu.memory_space<hbm>>
    tpu.wait_indirect_dma semaphore(%arg11 : memref<!tpu.dma_semaphore, #tpu.memory_space<semaphore_mem>>) src(%dma_wait3A_33 : memref<1000000x64xf32, #tpu.memory_space<hbm>>) dst(%arg9 : memref<800x64xf32, #tpu.memory_space<vmem>>)
    %add3A_34 = arith.constant 1600 : i32
    %add3A_35 = arith.addi %mul3A_2, %add3A_34 : i32
    "tpu.region"() ({
      %run_scoped3A = tpu.sem_alloc : memref<!tpu.dma_semaphore, #tpu.memory_space<semaphore_mem>>
      %dma_start3A_161 = arith.constant 0 : i32
      %dma_start3A_162 = tpu.memref_slice %arg5[%add3A_35, %dma_start3A_161] : memref<204800x64xf32, #tpu.memory_space<hbm>> -> memref<800x64xf32, #tpu.memory_space<hbm>>
      %dma_start3A_163 = arith.constant 0 : i32
      %dma_start3A_164 = tpu.memref_slice %arg5[%add3A_35, %dma_start3A_163] : memref<204800x64xf32, #tpu.memory_space<hbm>> -> memref<800x64xf32, #tpu.memory_space<hbm>>
      tpu.enqueue_dma source(%arg9 : memref<800x64xf32, #tpu.memory_space<vmem>>) target(%dma_start3A_164 : memref<800x64xf32, #tpu.memory_space<hbm>>) target_semaphore(%run_scoped3A : memref<!tpu.dma_semaphore, #tpu.memory_space<semaphore_mem>>)
      %dma_wait3A_165 = arith.constant 0 : i32
      %dma_wait3A_166 = tpu.memref_slice %arg5[%add3A_35, %dma_wait3A_165] : memref<204800x64xf32, #tpu.memory_space<hbm>> -> memref<800x64xf32, #tpu.memory_space<hbm>>
      %dma_wait3A_167 = arith.constant 0 : i32
      %dma_wait3A_168 = tpu.memref_slice %arg5[%add3A_35, %dma_wait3A_167] : memref<204800x64xf32, #tpu.memory_space<hbm>> -> memref<800x64xf32, #tpu.memory_space<hbm>>
      tpu.wait_dma2 semaphore(%run_scoped3A : memref<!tpu.dma_semaphore, #tpu.memory_space<semaphore_mem>>) src(%arg9 : memref<800x64xf32, #tpu.memory_space<vmem>>) dst(%dma_wait3A_168 : memref<800x64xf32, #tpu.memory_space<hbm>>)
      tpu.yield
    }) : () -> ()
    %add3A_36 = arith.constant 3200 : i32
    %add3A_37 = arith.addi %mul3A_2, %add3A_36 : i32
    "tpu.region"() ({
      %run_scoped3A = tpu.sem_alloc : memref<!tpu.dma_semaphore, #tpu.memory_space<semaphore_mem>>
      %dma_start3A_161 = tpu.memref_slice %arg2[%add3A_37] : memref<204800xi32, #tpu.memory_space<hbm>> -> memref<800xi32, #tpu.memory_space<hbm>>
      %dma_start3A_162 = tpu.memref_slice %arg2[%add3A_37] : memref<204800xi32, #tpu.memory_space<hbm>> -> memref<800xi32, #tpu.memory_space<hbm>>
      tpu.enqueue_dma source(%dma_start3A_162 : memref<800xi32, #tpu.memory_space<hbm>>) target(%arg7 : memref<800xi32, #tpu.memory_space<vmem>>) target_semaphore(%run_scoped3A : memref<!tpu.dma_semaphore, #tpu.memory_space<semaphore_mem>>)
      %dma_wait3A_163 = tpu.memref_slice %arg2[%add3A_37] : memref<204800xi32, #tpu.memory_space<hbm>> -> memref<800xi32, #tpu.memory_space<hbm>>
      %dma_wait3A_164 = tpu.memref_slice %arg2[%add3A_37] : memref<204800xi32, #tpu.memory_space<hbm>> -> memref<800xi32, #tpu.memory_space<hbm>>
      tpu.wait_dma2 semaphore(%run_scoped3A : memref<!tpu.dma_semaphore, #tpu.memory_space<semaphore_mem>>) src(%dma_wait3A_164 : memref<800xi32, #tpu.memory_space<hbm>>) dst(%arg7 : memref<800xi32, #tpu.memory_space<vmem>>)
      tpu.yield
    }) : () -> ()
    %dma_start3A_38 = arith.constant 0 : i32
    %dma_start3A_39 = arith.constant 0 : i32
    %dma_start3A_40 = tpu.memref_slice %arg4[%dma_start3A_38, %dma_start3A_39] : memref<1000000x64xf32, #tpu.memory_space<hbm>> -> memref<1000000x64xf32, #tpu.memory_space<hbm>>
    tpu.enqueue_indirect_dma source(%dma_start3A_40 : memref<1000000x64xf32, #tpu.memory_space<hbm>>) target(%arg9 : memref<800x64xf32, #tpu.memory_space<vmem>>) offsets(%arg7 : memref<800xi32, #tpu.memory_space<vmem>>) semaphore(%arg11 : memref<!tpu.dma_semaphore, #tpu.memory_space<semaphore_mem>>)
    %dma_wait3A_41 = arith.constant 0 : i32
    %dma_wait3A_42 = arith.constant 0 : i32
    %dma_wait3A_43 = tpu.memref_slice %arg4[%dma_wait3A_41, %dma_wait3A_42] : memref<1000000x64xf32, #tpu.memory_space<hbm>> -> memref<1000000x64xf32, #tpu.memory_space<hbm>>
    tpu.wait_indirect_dma semaphore(%arg12 : memref<!tpu.dma_semaphore, #tpu.memory_space<semaphore_mem>>) src(%dma_wait3A_43 : memref<1000000x64xf32, #tpu.memory_space<hbm>>) dst(%arg10 : memref<800x64xf32, #tpu.memory_space<vmem>>)
    %add3A_44 = arith.constant 2400 : i32
    %add3A_45 = arith.addi %mul3A_2, %add3A_44 : i32
    "tpu.region"() ({
      %run_scoped3A = tpu.sem_alloc : memref<!tpu.dma_semaphore, #tpu.memory_space<semaphore_mem>>
      %dma_start3A_161 = arith.constant 0 : i32
      %dma_start3A_162 = tpu.memref_slice %arg5[%add3A_45, %dma_start3A_161] : memref<204800x64xf32, #tpu.memory_space<hbm>> -> memref<800x64xf32, #tpu.memory_space<hbm>>
      %dma_start3A_163 = arith.constant 0 : i32
      %dma_start3A_164 = tpu.memref_slice %arg5[%add3A_45, %dma_start3A_163] : memref<204800x64xf32, #tpu.memory_space<hbm>> -> memref<800x64xf32, #tpu.memory_space<hbm>>
      tpu.enqueue_dma source(%arg10 : memref<800x64xf32, #tpu.memory_space<vmem>>) target(%dma_start3A_164 : memref<800x64xf32, #tpu.memory_space<hbm>>) target_semaphore(%run_scoped3A : memref<!tpu.dma_semaphore, #tpu.memory_space<semaphore_mem>>)
      %dma_wait3A_165 = arith.constant 0 : i32
      %dma_wait3A_166 = tpu.memref_slice %arg5[%add3A_45, %dma_wait3A_165] : memref<204800x64xf32, #tpu.memory_space<hbm>> -> memref<800x64xf32, #tpu.memory_space<hbm>>
      %dma_wait3A_167 = arith.constant 0 : i32
      %dma_wait3A_168 = tpu.memref_slice %arg5[%add3A_45, %dma_wait3A_167] : memref<204800x64xf32, #tpu.memory_space<hbm>> -> memref<800x64xf32, #tpu.memory_space<hbm>>
      tpu.wait_dma2 semaphore(%run_scoped3A : memref<!tpu.dma_semaphore, #tpu.memory_space<semaphore_mem>>) src(%arg10 : memref<800x64xf32, #tpu.memory_space<vmem>>) dst(%dma_wait3A_168 : memref<800x64xf32, #tpu.memory_space<hbm>>)
      tpu.yield
    }) : () -> ()
    %add3A_46 = arith.constant 4000 : i32
    %add3A_47 = arith.addi %mul3A_2, %add3A_46 : i32
    "tpu.region"() ({
      %run_scoped3A = tpu.sem_alloc : memref<!tpu.dma_semaphore, #tpu.memory_space<semaphore_mem>>
      %dma_start3A_161 = tpu.memref_slice %arg2[%add3A_47] : memref<204800xi32, #tpu.memory_space<hbm>> -> memref<800xi32, #tpu.memory_space<hbm>>
      %dma_start3A_162 = tpu.memref_slice %arg2[%add3A_47] : memref<204800xi32, #tpu.memory_space<hbm>> -> memref<800xi32, #tpu.memory_space<hbm>>
      tpu.enqueue_dma source(%dma_start3A_162 : memref<800xi32, #tpu.memory_space<hbm>>) target(%arg8 : memref<800xi32, #tpu.memory_space<vmem>>) target_semaphore(%run_scoped3A : memref<!tpu.dma_semaphore, #tpu.memory_space<semaphore_mem>>)
      %dma_wait3A_163 = tpu.memref_slice %arg2[%add3A_47] : memref<204800xi32, #tpu.memory_space<hbm>> -> memref<800xi32, #tpu.memory_space<hbm>>
      %dma_wait3A_164 = tpu.memref_slice %arg2[%add3A_47] : memref<204800xi32, #tpu.memory_space<hbm>> -> memref<800xi32, #tpu.memory_space<hbm>>
      tpu.wait_dma2 semaphore(%run_scoped3A : memref<!tpu.dma_semaphore, #tpu.memory_space<semaphore_mem>>) src(%dma_wait3A_164 : memref<800xi32, #tpu.memory_space<hbm>>) dst(%arg8 : memref<800xi32, #tpu.memory_space<vmem>>)
      tpu.yield
    }) : () -> ()
    %dma_start3A_48 = arith.constant 0 : i32
    %dma_start3A_49 = arith.constant 0 : i32
    %dma_start3A_50 = tpu.memref_slice %arg4[%dma_start3A_48, %dma_start3A_49] : memref<1000000x64xf32, #tpu.memory_space<hbm>> -> memref<1000000x64xf32, #tpu.memory_space<hbm>>
    tpu.enqueue_indirect_dma source(%dma_start3A_50 : memref<1000000x64xf32, #tpu.memory_space<hbm>>) target(%arg10 : memref<800x64xf32, #tpu.memory_space<vmem>>) offsets(%arg8 : memref<800xi32, #tpu.memory_space<vmem>>) semaphore(%arg12 : memref<!tpu.dma_semaphore, #tpu.memory_space<semaphore_mem>>)
    %dma_wait3A_51 = arith.constant 0 : i32
    %dma_wait3A_52 = arith.constant 0 : i32
    %dma_wait3A_53 = tpu.memref_slice %arg4[%dma_wait3A_51, %dma_wait3A_52] : memref<1000000x64xf32, #tpu.memory_space<hbm>> -> memref<1000000x64xf32, #tpu.memory_space<hbm>>
    tpu.wait_indirect_dma semaphore(%arg11 : memref<!tpu.dma_semaphore, #tpu.memory_space<semaphore_mem>>) src(%dma_wait3A_53 : memref<1000000x64xf32, #tpu.memory_space<hbm>>) dst(%arg9 : memref<800x64xf32, #tpu.memory_space<vmem>>)
    %add3A_54 = arith.constant 3200 : i32
    %add3A_55 = arith.addi %mul3A_2, %add3A_54 : i32
    "tpu.region"() ({
      %run_scoped3A = tpu.sem_alloc : memref<!tpu.dma_semaphore, #tpu.memory_space<semaphore_mem>>
      %dma_start3A_161 = arith.constant 0 : i32
      %dma_start3A_162 = tpu.memref_slice %arg5[%add3A_55, %dma_start3A_161] : memref<204800x64xf32, #tpu.memory_space<hbm>> -> memref<800x64xf32, #tpu.memory_space<hbm>>
      %dma_start3A_163 = arith.constant 0 : i32
      %dma_start3A_164 = tpu.memref_slice %arg5[%add3A_55, %dma_start3A_163] : memref<204800x64xf32, #tpu.memory_space<hbm>> -> memref<800x64xf32, #tpu.memory_space<hbm>>
      tpu.enqueue_dma source(%arg9 : memref<800x64xf32, #tpu.memory_space<vmem>>) target(%dma_start3A_164 : memref<800x64xf32, #tpu.memory_space<hbm>>) target_semaphore(%run_scoped3A : memref<!tpu.dma_semaphore, #tpu.memory_space<semaphore_mem>>)
      %dma_wait3A_165 = arith.constant 0 : i32
      %dma_wait3A_166 = tpu.memref_slice %arg5[%add3A_55, %dma_wait3A_165] : memref<204800x64xf32, #tpu.memory_space<hbm>> -> memref<800x64xf32, #tpu.memory_space<hbm>>
      %dma_wait3A_167 = arith.constant 0 : i32
      %dma_wait3A_168 = tpu.memref_slice %arg5[%add3A_55, %dma_wait3A_167] : memref<204800x64xf32, #tpu.memory_space<hbm>> -> memref<800x64xf32, #tpu.memory_space<hbm>>
      tpu.wait_dma2 semaphore(%run_scoped3A : memref<!tpu.dma_semaphore, #tpu.memory_space<semaphore_mem>>) src(%arg9 : memref<800x64xf32, #tpu.memory_space<vmem>>) dst(%dma_wait3A_168 : memref<800x64xf32, #tpu.memory_space<hbm>>)
      tpu.yield
    }) : () -> ()
    %add3A_56 = arith.constant 4800 : i32
    %add3A_57 = arith.addi %mul3A_2, %add3A_56 : i32
    "tpu.region"() ({
      %run_scoped3A = tpu.sem_alloc : memref<!tpu.dma_semaphore, #tpu.memory_space<semaphore_mem>>
      %dma_start3A_161 = tpu.memref_slice %arg2[%add3A_57] : memref<204800xi32, #tpu.memory_space<hbm>> -> memref<800xi32, #tpu.memory_space<hbm>>
      %dma_start3A_162 = tpu.memref_slice %arg2[%add3A_57] : memref<204800xi32, #tpu.memory_space<hbm>> -> memref<800xi32, #tpu.memory_space<hbm>>
      tpu.enqueue_dma source(%dma_start3A_162 : memref<800xi32, #tpu.memory_space<hbm>>) target(%arg7 : memref<800xi32, #tpu.memory_space<vmem>>) target_semaphore(%run_scoped3A : memref<!tpu.dma_semaphore, #tpu.memory_space<semaphore_mem>>)
      %dma_wait3A_163 = tpu.memref_slice %arg2[%add3A_57] : memref<204800xi32, #tpu.memory_space<hbm>> -> memref<800xi32, #tpu.memory_space<hbm>>
      %dma_wait3A_164 = tpu.memref_slice %arg2[%add3A_57] : memref<204800xi32, #tpu.memory_space<hbm>> -> memref<800xi32, #tpu.memory_space<hbm>>
      tpu.wait_dma2 semaphore(%run_scoped3A : memref<!tpu.dma_semaphore, #tpu.memory_space<semaphore_mem>>) src(%dma_wait3A_164 : memref<800xi32, #tpu.memory_space<hbm>>) dst(%arg7 : memref<800xi32, #tpu.memory_space<vmem>>)
      tpu.yield
    }) : () -> ()
    %dma_start3A_58 = arith.constant 0 : i32
    %dma_start3A_59 = arith.constant 0 : i32
    %dma_start3A_60 = tpu.memref_slice %arg4[%dma_start3A_58, %dma_start3A_59] : memref<1000000x64xf32, #tpu.memory_space<hbm>> -> memref<1000000x64xf32, #tpu.memory_space<hbm>>
    tpu.enqueue_indirect_dma source(%dma_start3A_60 : memref<1000000x64xf32, #tpu.memory_space<hbm>>) target(%arg9 : memref<800x64xf32, #tpu.memory_space<vmem>>) offsets(%arg7 : memref<800xi32, #tpu.memory_space<vmem>>) semaphore(%arg11 : memref<!tpu.dma_semaphore, #tpu.memory_space<semaphore_mem>>)
    %dma_wait3A_61 = arith.constant 0 : i32
    %dma_wait3A_62 = arith.constant 0 : i32
    %dma_wait3A_63 = tpu.memref_slice %arg4[%dma_wait3A_61, %dma_wait3A_62] : memref<1000000x64xf32, #tpu.memory_space<hbm>> -> memref<1000000x64xf32, #tpu.memory_space<hbm>>
    tpu.wait_indirect_dma semaphore(%arg12 : memref<!tpu.dma_semaphore, #tpu.memory_space<semaphore_mem>>) src(%dma_wait3A_63 : memref<1000000x64xf32, #tpu.memory_space<hbm>>) dst(%arg10 : memref<800x64xf32, #tpu.memory_space<vmem>>)
    %add3A_64 = arith.constant 4000 : i32
    %add3A_65 = arith.addi %mul3A_2, %add3A_64 : i32
    "tpu.region"() ({
      %run_scoped3A = tpu.sem_alloc : memref<!tpu.dma_semaphore, #tpu.memory_space<semaphore_mem>>
      %dma_start3A_161 = arith.constant 0 : i32
      %dma_start3A_162 = tpu.memref_slice %arg5[%add3A_65, %dma_start3A_161] : memref<204800x64xf32, #tpu.memory_space<hbm>> -> memref<800x64xf32, #tpu.memory_space<hbm>>
      %dma_start3A_163 = arith.constant 0 : i32
      %dma_start3A_164 = tpu.memref_slice %arg5[%add3A_65, %dma_start3A_163] : memref<204800x64xf32, #tpu.memory_space<hbm>> -> memref<800x64xf32, #tpu.memory_space<hbm>>
      tpu.enqueue_dma source(%arg10 : memref<800x64xf32, #tpu.memory_space<vmem>>) target(%dma_start3A_164 : memref<800x64xf32, #tpu.memory_space<hbm>>) target_semaphore(%run_scoped3A : memref<!tpu.dma_semaphore, #tpu.memory_space<semaphore_mem>>)
      %dma_wait3A_165 = arith.constant 0 : i32
      %dma_wait3A_166 = tpu.memref_slice %arg5[%add3A_65, %dma_wait3A_165] : memref<204800x64xf32, #tpu.memory_space<hbm>> -> memref<800x64xf32, #tpu.memory_space<hbm>>
      %dma_wait3A_167 = arith.constant 0 : i32
      %dma_wait3A_168 = tpu.memref_slice %arg5[%add3A_65, %dma_wait3A_167] : memref<204800x64xf32, #tpu.memory_space<hbm>> -> memref<800x64xf32, #tpu.memory_space<hbm>>
      tpu.wait_dma2 semaphore(%run_scoped3A : memref<!tpu.dma_semaphore, #tpu.memory_space<semaphore_mem>>) src(%arg10 : memref<800x64xf32, #tpu.memory_space<vmem>>) dst(%dma_wait3A_168 : memref<800x64xf32, #tpu.memory_space<hbm>>)
      tpu.yield
    }) : () -> ()
    %add3A_66 = arith.constant 5600 : i32
    %add3A_67 = arith.addi %mul3A_2, %add3A_66 : i32
    "tpu.region"() ({
      %run_scoped3A = tpu.sem_alloc : memref<!tpu.dma_semaphore, #tpu.memory_space<semaphore_mem>>
      %dma_start3A_161 = tpu.memref_slice %arg2[%add3A_67] : memref<204800xi32, #tpu.memory_space<hbm>> -> memref<800xi32, #tpu.memory_space<hbm>>
      %dma_start3A_162 = tpu.memref_slice %arg2[%add3A_67] : memref<204800xi32, #tpu.memory_space<hbm>> -> memref<800xi32, #tpu.memory_space<hbm>>
      tpu.enqueue_dma source(%dma_start3A_162 : memref<800xi32, #tpu.memory_space<hbm>>) target(%arg8 : memref<800xi32, #tpu.memory_space<vmem>>) target_semaphore(%run_scoped3A : memref<!tpu.dma_semaphore, #tpu.memory_space<semaphore_mem>>)
      %dma_wait3A_163 = tpu.memref_slice %arg2[%add3A_67] : memref<204800xi32, #tpu.memory_space<hbm>> -> memref<800xi32, #tpu.memory_space<hbm>>
      %dma_wait3A_164 = tpu.memref_slice %arg2[%add3A_67] : memref<204800xi32, #tpu.memory_space<hbm>> -> memref<800xi32, #tpu.memory_space<hbm>>
      tpu.wait_dma2 semaphore(%run_scoped3A : memref<!tpu.dma_semaphore, #tpu.memory_space<semaphore_mem>>) src(%dma_wait3A_164 : memref<800xi32, #tpu.memory_space<hbm>>) dst(%arg8 : memref<800xi32, #tpu.memory_space<vmem>>)
      tpu.yield
    }) : () -> ()
    %dma_start3A_68 = arith.constant 0 : i32
    %dma_start3A_69 = arith.constant 0 : i32
    %dma_start3A_70 = tpu.memref_slice %arg4[%dma_start3A_68, %dma_start3A_69] : memref<1000000x64xf32, #tpu.memory_space<hbm>> -> memref<1000000x64xf32, #tpu.memory_space<hbm>>
    tpu.enqueue_indirect_dma source(%dma_start3A_70 : memref<1000000x64xf32, #tpu.memory_space<hbm>>) target(%arg10 : memref<800x64xf32, #tpu.memory_space<vmem>>) offsets(%arg8 : memref<800xi32, #tpu.memory_space<vmem>>) semaphore(%arg12 : memref<!tpu.dma_semaphore, #tpu.memory_space<semaphore_mem>>)
    %dma_wait3A_71 = arith.constant 0 : i32
    %dma_wait3A_72 = arith.constant 0 : i32
    %dma_wait3A_73 = tpu.memref_slice %arg4[%dma_wait3A_71, %dma_wait3A_72] : memref<1000000x64xf32, #tpu.memory_space<hbm>> -> memref<1000000x64xf32, #tpu.memory_space<hbm>>
    tpu.wait_indirect_dma semaphore(%arg11 : memref<!tpu.dma_semaphore, #tpu.memory_space<semaphore_mem>>) src(%dma_wait3A_73 : memref<1000000x64xf32, #tpu.memory_space<hbm>>) dst(%arg9 : memref<800x64xf32, #tpu.memory_space<vmem>>)
    %add3A_74 = arith.constant 4800 : i32
    %add3A_75 = arith.addi %mul3A_2, %add3A_74 : i32
    "tpu.region"() ({
      %run_scoped3A = tpu.sem_alloc : memref<!tpu.dma_semaphore, #tpu.memory_space<semaphore_mem>>
      %dma_start3A_161 = arith.constant 0 : i32
      %dma_start3A_162 = tpu.memref_slice %arg5[%add3A_75, %dma_start3A_161] : memref<204800x64xf32, #tpu.memory_space<hbm>> -> memref<800x64xf32, #tpu.memory_space<hbm>>
      %dma_start3A_163 = arith.constant 0 : i32
      %dma_start3A_164 = tpu.memref_slice %arg5[%add3A_75, %dma_start3A_163] : memref<204800x64xf32, #tpu.memory_space<hbm>> -> memref<800x64xf32, #tpu.memory_space<hbm>>
      tpu.enqueue_dma source(%arg9 : memref<800x64xf32, #tpu.memory_space<vmem>>) target(%dma_start3A_164 : memref<800x64xf32, #tpu.memory_space<hbm>>) target_semaphore(%run_scoped3A : memref<!tpu.dma_semaphore, #tpu.memory_space<semaphore_mem>>)
      %dma_wait3A_165 = arith.constant 0 : i32
      %dma_wait3A_166 = tpu.memref_slice %arg5[%add3A_75, %dma_wait3A_165] : memref<204800x64xf32, #tpu.memory_space<hbm>> -> memref<800x64xf32, #tpu.memory_space<hbm>>
      %dma_wait3A_167 = arith.constant 0 : i32
      %dma_wait3A_168 = tpu.memref_slice %arg5[%add3A_75, %dma_wait3A_167] : memref<204800x64xf32, #tpu.memory_space<hbm>> -> memref<800x64xf32, #tpu.memory_space<hbm>>
      tpu.wait_dma2 semaphore(%run_scoped3A : memref<!tpu.dma_semaphore, #tpu.memory_space<semaphore_mem>>) src(%arg9 : memref<800x64xf32, #tpu.memory_space<vmem>>) dst(%dma_wait3A_168 : memref<800x64xf32, #tpu.memory_space<hbm>>)
      tpu.yield
    }) : () -> ()
    %add3A_76 = arith.constant 0 : i32
    %add3A_77 = arith.addi %mul3A_2, %add3A_76 : i32
    "tpu.region"() ({
      %run_scoped3A = tpu.sem_alloc : memref<!tpu.dma_semaphore, #tpu.memory_space<semaphore_mem>>
      %dma_start3A_161 = tpu.memref_slice %arg3[%add3A_77] : memref<204800xi32, #tpu.memory_space<hbm>> -> memref<800xi32, #tpu.memory_space<hbm>>
      %dma_start3A_162 = tpu.memref_slice %arg3[%add3A_77] : memref<204800xi32, #tpu.memory_space<hbm>> -> memref<800xi32, #tpu.memory_space<hbm>>
      tpu.enqueue_dma source(%dma_start3A_162 : memref<800xi32, #tpu.memory_space<hbm>>) target(%arg7 : memref<800xi32, #tpu.memory_space<vmem>>) target_semaphore(%run_scoped3A : memref<!tpu.dma_semaphore, #tpu.memory_space<semaphore_mem>>)
      %dma_wait3A_163 = tpu.memref_slice %arg3[%add3A_77] : memref<204800xi32, #tpu.memory_space<hbm>> -> memref<800xi32, #tpu.memory_space<hbm>>
      %dma_wait3A_164 = tpu.memref_slice %arg3[%add3A_77] : memref<204800xi32, #tpu.memory_space<hbm>> -> memref<800xi32, #tpu.memory_space<hbm>>
      tpu.wait_dma2 semaphore(%run_scoped3A : memref<!tpu.dma_semaphore, #tpu.memory_space<semaphore_mem>>) src(%dma_wait3A_164 : memref<800xi32, #tpu.memory_space<hbm>>) dst(%arg7 : memref<800xi32, #tpu.memory_space<vmem>>)
      tpu.yield
    }) : () -> ()
    %dma_start3A_78 = arith.constant 0 : i32
    %dma_start3A_79 = arith.constant 0 : i32
    %dma_start3A_80 = tpu.memref_slice %arg4[%dma_start3A_78, %dma_start3A_79] : memref<1000000x64xf32, #tpu.memory_space<hbm>> -> memref<1000000x64xf32, #tpu.memory_space<hbm>>
    tpu.enqueue_indirect_dma source(%dma_start3A_80 : memref<1000000x64xf32, #tpu.memory_space<hbm>>) target(%arg9 : memref<800x64xf32, #tpu.memory_space<vmem>>) offsets(%arg7 : memref<800xi32, #tpu.memory_space<vmem>>) semaphore(%arg11 : memref<!tpu.dma_semaphore, #tpu.memory_space<semaphore_mem>>)
    %dma_wait3A_81 = arith.constant 0 : i32
    %dma_wait3A_82 = arith.constant 0 : i32
    %dma_wait3A_83 = tpu.memref_slice %arg4[%dma_wait3A_81, %dma_wait3A_82] : memref<1000000x64xf32, #tpu.memory_space<hbm>> -> memref<1000000x64xf32, #tpu.memory_space<hbm>>
    tpu.wait_indirect_dma semaphore(%arg12 : memref<!tpu.dma_semaphore, #tpu.memory_space<semaphore_mem>>) src(%dma_wait3A_83 : memref<1000000x64xf32, #tpu.memory_space<hbm>>) dst(%arg10 : memref<800x64xf32, #tpu.memory_space<vmem>>)
    %add3A_84 = arith.constant 5600 : i32
    %add3A_85 = arith.addi %mul3A_2, %add3A_84 : i32
    "tpu.region"() ({
      %run_scoped3A = tpu.sem_alloc : memref<!tpu.dma_semaphore, #tpu.memory_space<semaphore_mem>>
      %dma_start3A_161 = arith.constant 0 : i32
      %dma_start3A_162 = tpu.memref_slice %arg5[%add3A_85, %dma_start3A_161] : memref<204800x64xf32, #tpu.memory_space<hbm>> -> memref<800x64xf32, #tpu.memory_space<hbm>>
      %dma_start3A_163 = arith.constant 0 : i32
      %dma_start3A_164 = tpu.memref_slice %arg5[%add3A_85, %dma_start3A_163] : memref<204800x64xf32, #tpu.memory_space<hbm>> -> memref<800x64xf32, #tpu.memory_space<hbm>>
      tpu.enqueue_dma source(%arg10 : memref<800x64xf32, #tpu.memory_space<vmem>>) target(%dma_start3A_164 : memref<800x64xf32, #tpu.memory_space<hbm>>) target_semaphore(%run_scoped3A : memref<!tpu.dma_semaphore, #tpu.memory_space<semaphore_mem>>)
      %dma_wait3A_165 = arith.constant 0 : i32
      %dma_wait3A_166 = tpu.memref_slice %arg5[%add3A_85, %dma_wait3A_165] : memref<204800x64xf32, #tpu.memory_space<hbm>> -> memref<800x64xf32, #tpu.memory_space<hbm>>
      %dma_wait3A_167 = arith.constant 0 : i32
      %dma_wait3A_168 = tpu.memref_slice %arg5[%add3A_85, %dma_wait3A_167] : memref<204800x64xf32, #tpu.memory_space<hbm>> -> memref<800x64xf32, #tpu.memory_space<hbm>>
      tpu.wait_dma2 semaphore(%run_scoped3A : memref<!tpu.dma_semaphore, #tpu.memory_space<semaphore_mem>>) src(%arg10 : memref<800x64xf32, #tpu.memory_space<vmem>>) dst(%dma_wait3A_168 : memref<800x64xf32, #tpu.memory_space<hbm>>)
      tpu.yield
    }) : () -> ()
    %add3A_86 = arith.constant 800 : i32
    %add3A_87 = arith.addi %mul3A_2, %add3A_86 : i32
    "tpu.region"() ({
      %run_scoped3A = tpu.sem_alloc : memref<!tpu.dma_semaphore, #tpu.memory_space<semaphore_mem>>
      %dma_start3A_161 = tpu.memref_slice %arg3[%add3A_87] : memref<204800xi32, #tpu.memory_space<hbm>> -> memref<800xi32, #tpu.memory_space<hbm>>
      %dma_start3A_162 = tpu.memref_slice %arg3[%add3A_87] : memref<204800xi32, #tpu.memory_space<hbm>> -> memref<800xi32, #tpu.memory_space<hbm>>
      tpu.enqueue_dma source(%dma_start3A_162 : memref<800xi32, #tpu.memory_space<hbm>>) target(%arg8 : memref<800xi32, #tpu.memory_space<vmem>>) target_semaphore(%run_scoped3A : memref<!tpu.dma_semaphore, #tpu.memory_space<semaphore_mem>>)
      %dma_wait3A_163 = tpu.memref_slice %arg3[%add3A_87] : memref<204800xi32, #tpu.memory_space<hbm>> -> memref<800xi32, #tpu.memory_space<hbm>>
      %dma_wait3A_164 = tpu.memref_slice %arg3[%add3A_87] : memref<204800xi32, #tpu.memory_space<hbm>> -> memref<800xi32, #tpu.memory_space<hbm>>
      tpu.wait_dma2 semaphore(%run_scoped3A : memref<!tpu.dma_semaphore, #tpu.memory_space<semaphore_mem>>) src(%dma_wait3A_164 : memref<800xi32, #tpu.memory_space<hbm>>) dst(%arg8 : memref<800xi32, #tpu.memory_space<vmem>>)
      tpu.yield
    }) : () -> ()
    %dma_start3A_88 = arith.constant 0 : i32
    %dma_start3A_89 = arith.constant 0 : i32
    %dma_start3A_90 = tpu.memref_slice %arg4[%dma_start3A_88, %dma_start3A_89] : memref<1000000x64xf32, #tpu.memory_space<hbm>> -> memref<1000000x64xf32, #tpu.memory_space<hbm>>
    tpu.enqueue_indirect_dma source(%dma_start3A_90 : memref<1000000x64xf32, #tpu.memory_space<hbm>>) target(%arg10 : memref<800x64xf32, #tpu.memory_space<vmem>>) offsets(%arg8 : memref<800xi32, #tpu.memory_space<vmem>>) semaphore(%arg12 : memref<!tpu.dma_semaphore, #tpu.memory_space<semaphore_mem>>)
    %dma_wait3A_91 = arith.constant 0 : i32
    %dma_wait3A_92 = arith.constant 0 : i32
    %dma_wait3A_93 = tpu.memref_slice %arg4[%dma_wait3A_91, %dma_wait3A_92] : memref<1000000x64xf32, #tpu.memory_space<hbm>> -> memref<1000000x64xf32, #tpu.memory_space<hbm>>
    tpu.wait_indirect_dma semaphore(%arg11 : memref<!tpu.dma_semaphore, #tpu.memory_space<semaphore_mem>>) src(%dma_wait3A_93 : memref<1000000x64xf32, #tpu.memory_space<hbm>>) dst(%arg9 : memref<800x64xf32, #tpu.memory_space<vmem>>)
    %add3A_94 = arith.constant 0 : i32
    %add3A_95 = arith.addi %mul3A_2, %add3A_94 : i32
    "tpu.region"() ({
      %run_scoped3A = tpu.sem_alloc : memref<!tpu.dma_semaphore, #tpu.memory_space<semaphore_mem>>
      %dma_start3A_161 = arith.constant 0 : i32
      %dma_start3A_162 = tpu.memref_slice %arg6[%add3A_95, %dma_start3A_161] : memref<204800x64xf32, #tpu.memory_space<hbm>> -> memref<800x64xf32, #tpu.memory_space<hbm>>
      %dma_start3A_163 = arith.constant 0 : i32
      %dma_start3A_164 = tpu.memref_slice %arg6[%add3A_95, %dma_start3A_163] : memref<204800x64xf32, #tpu.memory_space<hbm>> -> memref<800x64xf32, #tpu.memory_space<hbm>>
      tpu.enqueue_dma source(%arg9 : memref<800x64xf32, #tpu.memory_space<vmem>>) target(%dma_start3A_164 : memref<800x64xf32, #tpu.memory_space<hbm>>) target_semaphore(%run_scoped3A : memref<!tpu.dma_semaphore, #tpu.memory_space<semaphore_mem>>)
      %dma_wait3A_165 = arith.constant 0 : i32
      %dma_wait3A_166 = tpu.memref_slice %arg6[%add3A_95, %dma_wait3A_165] : memref<204800x64xf32, #tpu.memory_space<hbm>> -> memref<800x64xf32, #tpu.memory_space<hbm>>
      %dma_wait3A_167 = arith.constant 0 : i32
      %dma_wait3A_168 = tpu.memref_slice %arg6[%add3A_95, %dma_wait3A_167] : memref<204800x64xf32, #tpu.memory_space<hbm>> -> memref<800x64xf32, #tpu.memory_space<hbm>>
      tpu.wait_dma2 semaphore(%run_scoped3A : memref<!tpu.dma_semaphore, #tpu.memory_space<semaphore_mem>>) src(%arg9 : memref<800x64xf32, #tpu.memory_space<vmem>>) dst(%dma_wait3A_168 : memref<800x64xf32, #tpu.memory_space<hbm>>)
      tpu.yield
    }) : () -> ()
    %add3A_96 = arith.constant 1600 : i32
    %add3A_97 = arith.addi %mul3A_2, %add3A_96 : i32
    "tpu.region"() ({
      %run_scoped3A = tpu.sem_alloc : memref<!tpu.dma_semaphore, #tpu.memory_space<semaphore_mem>>
      %dma_start3A_161 = tpu.memref_slice %arg3[%add3A_97] : memref<204800xi32, #tpu.memory_space<hbm>> -> memref<800xi32, #tpu.memory_space<hbm>>
      %dma_start3A_162 = tpu.memref_slice %arg3[%add3A_97] : memref<204800xi32, #tpu.memory_space<hbm>> -> memref<800xi32, #tpu.memory_space<hbm>>
      tpu.enqueue_dma source(%dma_start3A_162 : memref<800xi32, #tpu.memory_space<hbm>>) target(%arg7 : memref<800xi32, #tpu.memory_space<vmem>>) target_semaphore(%run_scoped3A : memref<!tpu.dma_semaphore, #tpu.memory_space<semaphore_mem>>)
      %dma_wait3A_163 = tpu.memref_slice %arg3[%add3A_97] : memref<204800xi32, #tpu.memory_space<hbm>> -> memref<800xi32, #tpu.memory_space<hbm>>
      %dma_wait3A_164 = tpu.memref_slice %arg3[%add3A_97] : memref<204800xi32, #tpu.memory_space<hbm>> -> memref<800xi32, #tpu.memory_space<hbm>>
      tpu.wait_dma2 semaphore(%run_scoped3A : memref<!tpu.dma_semaphore, #tpu.memory_space<semaphore_mem>>) src(%dma_wait3A_164 : memref<800xi32, #tpu.memory_space<hbm>>) dst(%arg7 : memref<800xi32, #tpu.memory_space<vmem>>)
      tpu.yield
    }) : () -> ()
    %dma_start3A_98 = arith.constant 0 : i32
    %dma_start3A_99 = arith.constant 0 : i32
    %dma_start3A_100 = tpu.memref_slice %arg4[%dma_start3A_98, %dma_start3A_99] : memref<1000000x64xf32, #tpu.memory_space<hbm>> -> memref<1000000x64xf32, #tpu.memory_space<hbm>>
    tpu.enqueue_indirect_dma source(%dma_start3A_100 : memref<1000000x64xf32, #tpu.memory_space<hbm>>) target(%arg9 : memref<800x64xf32, #tpu.memory_space<vmem>>) offsets(%arg7 : memref<800xi32, #tpu.memory_space<vmem>>) semaphore(%arg11 : memref<!tpu.dma_semaphore, #tpu.memory_space<semaphore_mem>>)
    %dma_wait3A_101 = arith.constant 0 : i32
    %dma_wait3A_102 = arith.constant 0 : i32
    %dma_wait3A_103 = tpu.memref_slice %arg4[%dma_wait3A_101, %dma_wait3A_102] : memref<1000000x64xf32, #tpu.memory_space<hbm>> -> memref<1000000x64xf32, #tpu.memory_space<hbm>>
    tpu.wait_indirect_dma semaphore(%arg12 : memref<!tpu.dma_semaphore, #tpu.memory_space<semaphore_mem>>) src(%dma_wait3A_103 : memref<1000000x64xf32, #tpu.memory_space<hbm>>) dst(%arg10 : memref<800x64xf32, #tpu.memory_space<vmem>>)
    %add3A_104 = arith.constant 800 : i32
    %add3A_105 = arith.addi %mul3A_2, %add3A_104 : i32
    "tpu.region"() ({
      %run_scoped3A = tpu.sem_alloc : memref<!tpu.dma_semaphore, #tpu.memory_space<semaphore_mem>>
      %dma_start3A_161 = arith.constant 0 : i32
      %dma_start3A_162 = tpu.memref_slice %arg6[%add3A_105, %dma_start3A_161] : memref<204800x64xf32, #tpu.memory_space<hbm>> -> memref<800x64xf32, #tpu.memory_space<hbm>>
      %dma_start3A_163 = arith.constant 0 : i32
      %dma_start3A_164 = tpu.memref_slice %arg6[%add3A_105, %dma_start3A_163] : memref<204800x64xf32, #tpu.memory_space<hbm>> -> memref<800x64xf32, #tpu.memory_space<hbm>>
      tpu.enqueue_dma source(%arg10 : memref<800x64xf32, #tpu.memory_space<vmem>>) target(%dma_start3A_164 : memref<800x64xf32, #tpu.memory_space<hbm>>) target_semaphore(%run_scoped3A : memref<!tpu.dma_semaphore, #tpu.memory_space<semaphore_mem>>)
      %dma_wait3A_165 = arith.constant 0 : i32
      %dma_wait3A_166 = tpu.memref_slice %arg6[%add3A_105, %dma_wait3A_165] : memref<204800x64xf32, #tpu.memory_space<hbm>> -> memref<800x64xf32, #tpu.memory_space<hbm>>
      %dma_wait3A_167 = arith.constant 0 : i32
      %dma_wait3A_168 = tpu.memref_slice %arg6[%add3A_105, %dma_wait3A_167] : memref<204800x64xf32, #tpu.memory_space<hbm>> -> memref<800x64xf32, #tpu.memory_space<hbm>>
      tpu.wait_dma2 semaphore(%run_scoped3A : memref<!tpu.dma_semaphore, #tpu.memory_space<semaphore_mem>>) src(%arg10 : memref<800x64xf32, #tpu.memory_space<vmem>>) dst(%dma_wait3A_168 : memref<800x64xf32, #tpu.memory_space<hbm>>)
      tpu.yield
    }) : () -> ()
    %add3A_106 = arith.constant 2400 : i32
    %add3A_107 = arith.addi %mul3A_2, %add3A_106 : i32
    "tpu.region"() ({
      %run_scoped3A = tpu.sem_alloc : memref<!tpu.dma_semaphore, #tpu.memory_space<semaphore_mem>>
      %dma_start3A_161 = tpu.memref_slice %arg3[%add3A_107] : memref<204800xi32, #tpu.memory_space<hbm>> -> memref<800xi32, #tpu.memory_space<hbm>>
      %dma_start3A_162 = tpu.memref_slice %arg3[%add3A_107] : memref<204800xi32, #tpu.memory_space<hbm>> -> memref<800xi32, #tpu.memory_space<hbm>>
      tpu.enqueue_dma source(%dma_start3A_162 : memref<800xi32, #tpu.memory_space<hbm>>) target(%arg8 : memref<800xi32, #tpu.memory_space<vmem>>) target_semaphore(%run_scoped3A : memref<!tpu.dma_semaphore, #tpu.memory_space<semaphore_mem>>)
      %dma_wait3A_163 = tpu.memref_slice %arg3[%add3A_107] : memref<204800xi32, #tpu.memory_space<hbm>> -> memref<800xi32, #tpu.memory_space<hbm>>
      %dma_wait3A_164 = tpu.memref_slice %arg3[%add3A_107] : memref<204800xi32, #tpu.memory_space<hbm>> -> memref<800xi32, #tpu.memory_space<hbm>>
      tpu.wait_dma2 semaphore(%run_scoped3A : memref<!tpu.dma_semaphore, #tpu.memory_space<semaphore_mem>>) src(%dma_wait3A_164 : memref<800xi32, #tpu.memory_space<hbm>>) dst(%arg8 : memref<800xi32, #tpu.memory_space<vmem>>)
      tpu.yield
    }) : () -> ()
    %dma_start3A_108 = arith.constant 0 : i32
    %dma_start3A_109 = arith.constant 0 : i32
    %dma_start3A_110 = tpu.memref_slice %arg4[%dma_start3A_108, %dma_start3A_109] : memref<1000000x64xf32, #tpu.memory_space<hbm>> -> memref<1000000x64xf32, #tpu.memory_space<hbm>>
    tpu.enqueue_indirect_dma source(%dma_start3A_110 : memref<1000000x64xf32, #tpu.memory_space<hbm>>) target(%arg10 : memref<800x64xf32, #tpu.memory_space<vmem>>) offsets(%arg8 : memref<800xi32, #tpu.memory_space<vmem>>) semaphore(%arg12 : memref<!tpu.dma_semaphore, #tpu.memory_space<semaphore_mem>>)
    %dma_wait3A_111 = arith.constant 0 : i32
    %dma_wait3A_112 = arith.constant 0 : i32
    %dma_wait3A_113 = tpu.memref_slice %arg4[%dma_wait3A_111, %dma_wait3A_112] : memref<1000000x64xf32, #tpu.memory_space<hbm>> -> memref<1000000x64xf32, #tpu.memory_space<hbm>>
    tpu.wait_indirect_dma semaphore(%arg11 : memref<!tpu.dma_semaphore, #tpu.memory_space<semaphore_mem>>) src(%dma_wait3A_113 : memref<1000000x64xf32, #tpu.memory_space<hbm>>) dst(%arg9 : memref<800x64xf32, #tpu.memory_space<vmem>>)
    %add3A_114 = arith.constant 1600 : i32
    %add3A_115 = arith.addi %mul3A_2, %add3A_114 : i32
    "tpu.region"() ({
      %run_scoped3A = tpu.sem_alloc : memref<!tpu.dma_semaphore, #tpu.memory_space<semaphore_mem>>
      %dma_start3A_161 = arith.constant 0 : i32
      %dma_start3A_162 = tpu.memref_slice %arg6[%add3A_115, %dma_start3A_161] : memref<204800x64xf32, #tpu.memory_space<hbm>> -> memref<800x64xf32, #tpu.memory_space<hbm>>
      %dma_start3A_163 = arith.constant 0 : i32
      %dma_start3A_164 = tpu.memref_slice %arg6[%add3A_115, %dma_start3A_163] : memref<204800x64xf32, #tpu.memory_space<hbm>> -> memref<800x64xf32, #tpu.memory_space<hbm>>
      tpu.enqueue_dma source(%arg9 : memref<800x64xf32, #tpu.memory_space<vmem>>) target(%dma_start3A_164 : memref<800x64xf32, #tpu.memory_space<hbm>>) target_semaphore(%run_scoped3A : memref<!tpu.dma_semaphore, #tpu.memory_space<semaphore_mem>>)
      %dma_wait3A_165 = arith.constant 0 : i32
      %dma_wait3A_166 = tpu.memref_slice %arg6[%add3A_115, %dma_wait3A_165] : memref<204800x64xf32, #tpu.memory_space<hbm>> -> memref<800x64xf32, #tpu.memory_space<hbm>>
      %dma_wait3A_167 = arith.constant 0 : i32
      %dma_wait3A_168 = tpu.memref_slice %arg6[%add3A_115, %dma_wait3A_167] : memref<204800x64xf32, #tpu.memory_space<hbm>> -> memref<800x64xf32, #tpu.memory_space<hbm>>
      tpu.wait_dma2 semaphore(%run_scoped3A : memref<!tpu.dma_semaphore, #tpu.memory_space<semaphore_mem>>) src(%arg9 : memref<800x64xf32, #tpu.memory_space<vmem>>) dst(%dma_wait3A_168 : memref<800x64xf32, #tpu.memory_space<hbm>>)
      tpu.yield
    }) : () -> ()
    %add3A_116 = arith.constant 3200 : i32
    %add3A_117 = arith.addi %mul3A_2, %add3A_116 : i32
    "tpu.region"() ({
      %run_scoped3A = tpu.sem_alloc : memref<!tpu.dma_semaphore, #tpu.memory_space<semaphore_mem>>
      %dma_start3A_161 = tpu.memref_slice %arg3[%add3A_117] : memref<204800xi32, #tpu.memory_space<hbm>> -> memref<800xi32, #tpu.memory_space<hbm>>
      %dma_start3A_162 = tpu.memref_slice %arg3[%add3A_117] : memref<204800xi32, #tpu.memory_space<hbm>> -> memref<800xi32, #tpu.memory_space<hbm>>
      tpu.enqueue_dma source(%dma_start3A_162 : memref<800xi32, #tpu.memory_space<hbm>>) target(%arg7 : memref<800xi32, #tpu.memory_space<vmem>>) target_semaphore(%run_scoped3A : memref<!tpu.dma_semaphore, #tpu.memory_space<semaphore_mem>>)
      %dma_wait3A_163 = tpu.memref_slice %arg3[%add3A_117] : memref<204800xi32, #tpu.memory_space<hbm>> -> memref<800xi32, #tpu.memory_space<hbm>>
      %dma_wait3A_164 = tpu.memref_slice %arg3[%add3A_117] : memref<204800xi32, #tpu.memory_space<hbm>> -> memref<800xi32, #tpu.memory_space<hbm>>
      tpu.wait_dma2 semaphore(%run_scoped3A : memref<!tpu.dma_semaphore, #tpu.memory_space<semaphore_mem>>) src(%dma_wait3A_164 : memref<800xi32, #tpu.memory_space<hbm>>) dst(%arg7 : memref<800xi32, #tpu.memory_space<vmem>>)
      tpu.yield
    }) : () -> ()
    %dma_start3A_118 = arith.constant 0 : i32
    %dma_start3A_119 = arith.constant 0 : i32
    %dma_start3A_120 = tpu.memref_slice %arg4[%dma_start3A_118, %dma_start3A_119] : memref<1000000x64xf32, #tpu.memory_space<hbm>> -> memref<1000000x64xf32, #tpu.memory_space<hbm>>
    tpu.enqueue_indirect_dma source(%dma_start3A_120 : memref<1000000x64xf32, #tpu.memory_space<hbm>>) target(%arg9 : memref<800x64xf32, #tpu.memory_space<vmem>>) offsets(%arg7 : memref<800xi32, #tpu.memory_space<vmem>>) semaphore(%arg11 : memref<!tpu.dma_semaphore, #tpu.memory_space<semaphore_mem>>)
    %dma_wait3A_121 = arith.constant 0 : i32
    %dma_wait3A_122 = arith.constant 0 : i32
    %dma_wait3A_123 = tpu.memref_slice %arg4[%dma_wait3A_121, %dma_wait3A_122] : memref<1000000x64xf32, #tpu.memory_space<hbm>> -> memref<1000000x64xf32, #tpu.memory_space<hbm>>
    tpu.wait_indirect_dma semaphore(%arg12 : memref<!tpu.dma_semaphore, #tpu.memory_space<semaphore_mem>>) src(%dma_wait3A_123 : memref<1000000x64xf32, #tpu.memory_space<hbm>>) dst(%arg10 : memref<800x64xf32, #tpu.memory_space<vmem>>)
    %add3A_124 = arith.constant 2400 : i32
    %add3A_125 = arith.addi %mul3A_2, %add3A_124 : i32
    "tpu.region"() ({
      %run_scoped3A = tpu.sem_alloc : memref<!tpu.dma_semaphore, #tpu.memory_space<semaphore_mem>>
      %dma_start3A_161 = arith.constant 0 : i32
      %dma_start3A_162 = tpu.memref_slice %arg6[%add3A_125, %dma_start3A_161] : memref<204800x64xf32, #tpu.memory_space<hbm>> -> memref<800x64xf32, #tpu.memory_space<hbm>>
      %dma_start3A_163 = arith.constant 0 : i32
      %dma_start3A_164 = tpu.memref_slice %arg6[%add3A_125, %dma_start3A_163] : memref<204800x64xf32, #tpu.memory_space<hbm>> -> memref<800x64xf32, #tpu.memory_space<hbm>>
      tpu.enqueue_dma source(%arg10 : memref<800x64xf32, #tpu.memory_space<vmem>>) target(%dma_start3A_164 : memref<800x64xf32, #tpu.memory_space<hbm>>) target_semaphore(%run_scoped3A : memref<!tpu.dma_semaphore, #tpu.memory_space<semaphore_mem>>)
      %dma_wait3A_165 = arith.constant 0 : i32
      %dma_wait3A_166 = tpu.memref_slice %arg6[%add3A_125, %dma_wait3A_165] : memref<204800x64xf32, #tpu.memory_space<hbm>> -> memref<800x64xf32, #tpu.memory_space<hbm>>
      %dma_wait3A_167 = arith.constant 0 : i32
      %dma_wait3A_168 = tpu.memref_slice %arg6[%add3A_125, %dma_wait3A_167] : memref<204800x64xf32, #tpu.memory_space<hbm>> -> memref<800x64xf32, #tpu.memory_space<hbm>>
      tpu.wait_dma2 semaphore(%run_scoped3A : memref<!tpu.dma_semaphore, #tpu.memory_space<semaphore_mem>>) src(%arg10 : memref<800x64xf32, #tpu.memory_space<vmem>>) dst(%dma_wait3A_168 : memref<800x64xf32, #tpu.memory_space<hbm>>)
      tpu.yield
    }) : () -> ()
    %add3A_126 = arith.constant 4000 : i32
    %add3A_127 = arith.addi %mul3A_2, %add3A_126 : i32
    "tpu.region"() ({
      %run_scoped3A = tpu.sem_alloc : memref<!tpu.dma_semaphore, #tpu.memory_space<semaphore_mem>>
      %dma_start3A_161 = tpu.memref_slice %arg3[%add3A_127] : memref<204800xi32, #tpu.memory_space<hbm>> -> memref<800xi32, #tpu.memory_space<hbm>>
      %dma_start3A_162 = tpu.memref_slice %arg3[%add3A_127] : memref<204800xi32, #tpu.memory_space<hbm>> -> memref<800xi32, #tpu.memory_space<hbm>>
      tpu.enqueue_dma source(%dma_start3A_162 : memref<800xi32, #tpu.memory_space<hbm>>) target(%arg8 : memref<800xi32, #tpu.memory_space<vmem>>) target_semaphore(%run_scoped3A : memref<!tpu.dma_semaphore, #tpu.memory_space<semaphore_mem>>)
      %dma_wait3A_163 = tpu.memref_slice %arg3[%add3A_127] : memref<204800xi32, #tpu.memory_space<hbm>> -> memref<800xi32, #tpu.memory_space<hbm>>
      %dma_wait3A_164 = tpu.memref_slice %arg3[%add3A_127] : memref<204800xi32, #tpu.memory_space<hbm>> -> memref<800xi32, #tpu.memory_space<hbm>>
      tpu.wait_dma2 semaphore(%run_scoped3A : memref<!tpu.dma_semaphore, #tpu.memory_space<semaphore_mem>>) src(%dma_wait3A_164 : memref<800xi32, #tpu.memory_space<hbm>>) dst(%arg8 : memref<800xi32, #tpu.memory_space<vmem>>)
      tpu.yield
    }) : () -> ()
    %dma_start3A_128 = arith.constant 0 : i32
    %dma_start3A_129 = arith.constant 0 : i32
    %dma_start3A_130 = tpu.memref_slice %arg4[%dma_start3A_128, %dma_start3A_129] : memref<1000000x64xf32, #tpu.memory_space<hbm>> -> memref<1000000x64xf32, #tpu.memory_space<hbm>>
    tpu.enqueue_indirect_dma source(%dma_start3A_130 : memref<1000000x64xf32, #tpu.memory_space<hbm>>) target(%arg10 : memref<800x64xf32, #tpu.memory_space<vmem>>) offsets(%arg8 : memref<800xi32, #tpu.memory_space<vmem>>) semaphore(%arg12 : memref<!tpu.dma_semaphore, #tpu.memory_space<semaphore_mem>>)
    %dma_wait3A_131 = arith.constant 0 : i32
    %dma_wait3A_132 = arith.constant 0 : i32
    %dma_wait3A_133 = tpu.memref_slice %arg4[%dma_wait3A_131, %dma_wait3A_132] : memref<1000000x64xf32, #tpu.memory_space<hbm>> -> memref<1000000x64xf32, #tpu.memory_space<hbm>>
    tpu.wait_indirect_dma semaphore(%arg11 : memref<!tpu.dma_semaphore, #tpu.memory_space<semaphore_mem>>) src(%dma_wait3A_133 : memref<1000000x64xf32, #tpu.memory_space<hbm>>) dst(%arg9 : memref<800x64xf32, #tpu.memory_space<vmem>>)
    %add3A_134 = arith.constant 3200 : i32
    %add3A_135 = arith.addi %mul3A_2, %add3A_134 : i32
    "tpu.region"() ({
      %run_scoped3A = tpu.sem_alloc : memref<!tpu.dma_semaphore, #tpu.memory_space<semaphore_mem>>
      %dma_start3A_161 = arith.constant 0 : i32
      %dma_start3A_162 = tpu.memref_slice %arg6[%add3A_135, %dma_start3A_161] : memref<204800x64xf32, #tpu.memory_space<hbm>> -> memref<800x64xf32, #tpu.memory_space<hbm>>
      %dma_start3A_163 = arith.constant 0 : i32
      %dma_start3A_164 = tpu.memref_slice %arg6[%add3A_135, %dma_start3A_163] : memref<204800x64xf32, #tpu.memory_space<hbm>> -> memref<800x64xf32, #tpu.memory_space<hbm>>
      tpu.enqueue_dma source(%arg9 : memref<800x64xf32, #tpu.memory_space<vmem>>) target(%dma_start3A_164 : memref<800x64xf32, #tpu.memory_space<hbm>>) target_semaphore(%run_scoped3A : memref<!tpu.dma_semaphore, #tpu.memory_space<semaphore_mem>>)
      %dma_wait3A_165 = arith.constant 0 : i32
      %dma_wait3A_166 = tpu.memref_slice %arg6[%add3A_135, %dma_wait3A_165] : memref<204800x64xf32, #tpu.memory_space<hbm>> -> memref<800x64xf32, #tpu.memory_space<hbm>>
      %dma_wait3A_167 = arith.constant 0 : i32
      %dma_wait3A_168 = tpu.memref_slice %arg6[%add3A_135, %dma_wait3A_167] : memref<204800x64xf32, #tpu.memory_space<hbm>> -> memref<800x64xf32, #tpu.memory_space<hbm>>
      tpu.wait_dma2 semaphore(%run_scoped3A : memref<!tpu.dma_semaphore, #tpu.memory_space<semaphore_mem>>) src(%arg9 : memref<800x64xf32, #tpu.memory_space<vmem>>) dst(%dma_wait3A_168 : memref<800x64xf32, #tpu.memory_space<hbm>>)
      tpu.yield
    }) : () -> ()
    %add3A_136 = arith.constant 4800 : i32
    %add3A_137 = arith.addi %mul3A_2, %add3A_136 : i32
    "tpu.region"() ({
      %run_scoped3A = tpu.sem_alloc : memref<!tpu.dma_semaphore, #tpu.memory_space<semaphore_mem>>
      %dma_start3A_161 = tpu.memref_slice %arg3[%add3A_137] : memref<204800xi32, #tpu.memory_space<hbm>> -> memref<800xi32, #tpu.memory_space<hbm>>
      %dma_start3A_162 = tpu.memref_slice %arg3[%add3A_137] : memref<204800xi32, #tpu.memory_space<hbm>> -> memref<800xi32, #tpu.memory_space<hbm>>
      tpu.enqueue_dma source(%dma_start3A_162 : memref<800xi32, #tpu.memory_space<hbm>>) target(%arg7 : memref<800xi32, #tpu.memory_space<vmem>>) target_semaphore(%run_scoped3A : memref<!tpu.dma_semaphore, #tpu.memory_space<semaphore_mem>>)
      %dma_wait3A_163 = tpu.memref_slice %arg3[%add3A_137] : memref<204800xi32, #tpu.memory_space<hbm>> -> memref<800xi32, #tpu.memory_space<hbm>>
      %dma_wait3A_164 = tpu.memref_slice %arg3[%add3A_137] : memref<204800xi32, #tpu.memory_space<hbm>> -> memref<800xi32, #tpu.memory_space<hbm>>
      tpu.wait_dma2 semaphore(%run_scoped3A : memref<!tpu.dma_semaphore, #tpu.memory_space<semaphore_mem>>) src(%dma_wait3A_164 : memref<800xi32, #tpu.memory_space<hbm>>) dst(%arg7 : memref<800xi32, #tpu.memory_space<vmem>>)
      tpu.yield
    }) : () -> ()
    %dma_start3A_138 = arith.constant 0 : i32
    %dma_start3A_139 = arith.constant 0 : i32
    %dma_start3A_140 = tpu.memref_slice %arg4[%dma_start3A_138, %dma_start3A_139] : memref<1000000x64xf32, #tpu.memory_space<hbm>> -> memref<1000000x64xf32, #tpu.memory_space<hbm>>
    tpu.enqueue_indirect_dma source(%dma_start3A_140 : memref<1000000x64xf32, #tpu.memory_space<hbm>>) target(%arg9 : memref<800x64xf32, #tpu.memory_space<vmem>>) offsets(%arg7 : memref<800xi32, #tpu.memory_space<vmem>>) semaphore(%arg11 : memref<!tpu.dma_semaphore, #tpu.memory_space<semaphore_mem>>)
    %dma_wait3A_141 = arith.constant 0 : i32
    %dma_wait3A_142 = arith.constant 0 : i32
    %dma_wait3A_143 = tpu.memref_slice %arg4[%dma_wait3A_141, %dma_wait3A_142] : memref<1000000x64xf32, #tpu.memory_space<hbm>> -> memref<1000000x64xf32, #tpu.memory_space<hbm>>
    tpu.wait_indirect_dma semaphore(%arg12 : memref<!tpu.dma_semaphore, #tpu.memory_space<semaphore_mem>>) src(%dma_wait3A_143 : memref<1000000x64xf32, #tpu.memory_space<hbm>>) dst(%arg10 : memref<800x64xf32, #tpu.memory_space<vmem>>)
    %add3A_144 = arith.constant 4000 : i32
    %add3A_145 = arith.addi %mul3A_2, %add3A_144 : i32
    "tpu.region"() ({
      %run_scoped3A = tpu.sem_alloc : memref<!tpu.dma_semaphore, #tpu.memory_space<semaphore_mem>>
      %dma_start3A_161 = arith.constant 0 : i32
      %dma_start3A_162 = tpu.memref_slice %arg6[%add3A_145, %dma_start3A_161] : memref<204800x64xf32, #tpu.memory_space<hbm>> -> memref<800x64xf32, #tpu.memory_space<hbm>>
      %dma_start3A_163 = arith.constant 0 : i32
      %dma_start3A_164 = tpu.memref_slice %arg6[%add3A_145, %dma_start3A_163] : memref<204800x64xf32, #tpu.memory_space<hbm>> -> memref<800x64xf32, #tpu.memory_space<hbm>>
      tpu.enqueue_dma source(%arg10 : memref<800x64xf32, #tpu.memory_space<vmem>>) target(%dma_start3A_164 : memref<800x64xf32, #tpu.memory_space<hbm>>) target_semaphore(%run_scoped3A : memref<!tpu.dma_semaphore, #tpu.memory_space<semaphore_mem>>)
      %dma_wait3A_165 = arith.constant 0 : i32
      %dma_wait3A_166 = tpu.memref_slice %arg6[%add3A_145, %dma_wait3A_165] : memref<204800x64xf32, #tpu.memory_space<hbm>> -> memref<800x64xf32, #tpu.memory_space<hbm>>
      %dma_wait3A_167 = arith.constant 0 : i32
      %dma_wait3A_168 = tpu.memref_slice %arg6[%add3A_145, %dma_wait3A_167] : memref<204800x64xf32, #tpu.memory_space<hbm>> -> memref<800x64xf32, #tpu.memory_space<hbm>>
      tpu.wait_dma2 semaphore(%run_scoped3A : memref<!tpu.dma_semaphore, #tpu.memory_space<semaphore_mem>>) src(%arg10 : memref<800x64xf32, #tpu.memory_space<vmem>>) dst(%dma_wait3A_168 : memref<800x64xf32, #tpu.memory_space<hbm>>)
      tpu.yield
    }) : () -> ()
    %add3A_146 = arith.constant 5600 : i32
    %add3A_147 = arith.addi %mul3A_2, %add3A_146 : i32
    "tpu.region"() ({
      %run_scoped3A = tpu.sem_alloc : memref<!tpu.dma_semaphore, #tpu.memory_space<semaphore_mem>>
      %dma_start3A_161 = tpu.memref_slice %arg3[%add3A_147] : memref<204800xi32, #tpu.memory_space<hbm>> -> memref<800xi32, #tpu.memory_space<hbm>>
      %dma_start3A_162 = tpu.memref_slice %arg3[%add3A_147] : memref<204800xi32, #tpu.memory_space<hbm>> -> memref<800xi32, #tpu.memory_space<hbm>>
      tpu.enqueue_dma source(%dma_start3A_162 : memref<800xi32, #tpu.memory_space<hbm>>) target(%arg8 : memref<800xi32, #tpu.memory_space<vmem>>) target_semaphore(%run_scoped3A : memref<!tpu.dma_semaphore, #tpu.memory_space<semaphore_mem>>)
      %dma_wait3A_163 = tpu.memref_slice %arg3[%add3A_147] : memref<204800xi32, #tpu.memory_space<hbm>> -> memref<800xi32, #tpu.memory_space<hbm>>
      %dma_wait3A_164 = tpu.memref_slice %arg3[%add3A_147] : memref<204800xi32, #tpu.memory_space<hbm>> -> memref<800xi32, #tpu.memory_space<hbm>>
      tpu.wait_dma2 semaphore(%run_scoped3A : memref<!tpu.dma_semaphore, #tpu.memory_space<semaphore_mem>>) src(%dma_wait3A_164 : memref<800xi32, #tpu.memory_space<hbm>>) dst(%arg8 : memref<800xi32, #tpu.memory_space<vmem>>)
      tpu.yield
    }) : () -> ()
    %dma_start3A_148 = arith.constant 0 : i32
    %dma_start3A_149 = arith.constant 0 : i32
    %dma_start3A_150 = tpu.memref_slice %arg4[%dma_start3A_148, %dma_start3A_149] : memref<1000000x64xf32, #tpu.memory_space<hbm>> -> memref<1000000x64xf32, #tpu.memory_space<hbm>>
    tpu.enqueue_indirect_dma source(%dma_start3A_150 : memref<1000000x64xf32, #tpu.memory_space<hbm>>) target(%arg10 : memref<800x64xf32, #tpu.memory_space<vmem>>) offsets(%arg8 : memref<800xi32, #tpu.memory_space<vmem>>) semaphore(%arg12 : memref<!tpu.dma_semaphore, #tpu.memory_space<semaphore_mem>>)
    %dma_wait3A_151 = arith.constant 0 : i32
    %dma_wait3A_152 = arith.constant 0 : i32
    %dma_wait3A_153 = tpu.memref_slice %arg4[%dma_wait3A_151, %dma_wait3A_152] : memref<1000000x64xf32, #tpu.memory_space<hbm>> -> memref<1000000x64xf32, #tpu.memory_space<hbm>>
    tpu.wait_indirect_dma semaphore(%arg11 : memref<!tpu.dma_semaphore, #tpu.memory_space<semaphore_mem>>) src(%dma_wait3A_153 : memref<1000000x64xf32, #tpu.memory_space<hbm>>) dst(%arg9 : memref<800x64xf32, #tpu.memory_space<vmem>>)
    %add3A_154 = arith.constant 4800 : i32
    %add3A_155 = arith.addi %mul3A_2, %add3A_154 : i32
    "tpu.region"() ({
      %run_scoped3A = tpu.sem_alloc : memref<!tpu.dma_semaphore, #tpu.memory_space<semaphore_mem>>
      %dma_start3A_161 = arith.constant 0 : i32
      %dma_start3A_162 = tpu.memref_slice %arg6[%add3A_155, %dma_start3A_161] : memref<204800x64xf32, #tpu.memory_space<hbm>> -> memref<800x64xf32, #tpu.memory_space<hbm>>
      %dma_start3A_163 = arith.constant 0 : i32
      %dma_start3A_164 = tpu.memref_slice %arg6[%add3A_155, %dma_start3A_163] : memref<204800x64xf32, #tpu.memory_space<hbm>> -> memref<800x64xf32, #tpu.memory_space<hbm>>
      tpu.enqueue_dma source(%arg9 : memref<800x64xf32, #tpu.memory_space<vmem>>) target(%dma_start3A_164 : memref<800x64xf32, #tpu.memory_space<hbm>>) target_semaphore(%run_scoped3A : memref<!tpu.dma_semaphore, #tpu.memory_space<semaphore_mem>>)
      %dma_wait3A_165 = arith.constant 0 : i32
      %dma_wait3A_166 = tpu.memref_slice %arg6[%add3A_155, %dma_wait3A_165] : memref<204800x64xf32, #tpu.memory_space<hbm>> -> memref<800x64xf32, #tpu.memory_space<hbm>>
      %dma_wait3A_167 = arith.constant 0 : i32
      %dma_wait3A_168 = tpu.memref_slice %arg6[%add3A_155, %dma_wait3A_167] : memref<204800x64xf32, #tpu.memory_space<hbm>> -> memref<800x64xf32, #tpu.memory_space<hbm>>
      tpu.wait_dma2 semaphore(%run_scoped3A : memref<!tpu.dma_semaphore, #tpu.memory_space<semaphore_mem>>) src(%arg9 : memref<800x64xf32, #tpu.memory_space<vmem>>) dst(%dma_wait3A_168 : memref<800x64xf32, #tpu.memory_space<hbm>>)
      tpu.yield
    }) : () -> ()
    %dma_wait3A_156 = arith.constant 0 : i32
    %dma_wait3A_157 = arith.constant 0 : i32
    %dma_wait3A_158 = tpu.memref_slice %arg4[%dma_wait3A_156, %dma_wait3A_157] : memref<1000000x64xf32, #tpu.memory_space<hbm>> -> memref<1000000x64xf32, #tpu.memory_space<hbm>>
    tpu.wait_indirect_dma semaphore(%arg12 : memref<!tpu.dma_semaphore, #tpu.memory_space<semaphore_mem>>) src(%dma_wait3A_158 : memref<1000000x64xf32, #tpu.memory_space<hbm>>) dst(%arg10 : memref<800x64xf32, #tpu.memory_space<vmem>>)
    %add3A_159 = arith.constant 5600 : i32
    %add3A_160 = arith.addi %mul3A_2, %add3A_159 : i32
    "tpu.region"() ({
      %run_scoped3A = tpu.sem_alloc : memref<!tpu.dma_semaphore, #tpu.memory_space<semaphore_mem>>
      %dma_start3A_161 = arith.constant 0 : i32
      %dma_start3A_162 = tpu.memref_slice %arg6[%add3A_160, %dma_start3A_161] : memref<204800x64xf32, #tpu.memory_space<hbm>> -> memref<800x64xf32, #tpu.memory_space<hbm>>
      %dma_start3A_163 = arith.constant 0 : i32
      %dma_start3A_164 = tpu.memref_slice %arg6[%add3A_160, %dma_start3A_163] : memref<204800x64xf32, #tpu.memory_space<hbm>> -> memref<800x64xf32, #tpu.memory_space<hbm>>
      tpu.enqueue_dma source(%arg10 : memref<800x64xf32, #tpu.memory_space<vmem>>) target(%dma_start3A_164 : memref<800x64xf32, #tpu.memory_space<hbm>>) target_semaphore(%run_scoped3A : memref<!tpu.dma_semaphore, #tpu.memory_space<semaphore_mem>>)
      %dma_wait3A_165 = arith.constant 0 : i32
      %dma_wait3A_166 = tpu.memref_slice %arg6[%add3A_160, %dma_wait3A_165] : memref<204800x64xf32, #tpu.memory_space<hbm>> -> memref<800x64xf32, #tpu.memory_space<hbm>>
      %dma_wait3A_167 = arith.constant 0 : i32
      %dma_wait3A_168 = tpu.memref_slice %arg6[%add3A_160, %dma_wait3A_167] : memref<204800x64xf32, #tpu.memory_space<hbm>> -> memref<800x64xf32, #tpu.memory_space<hbm>>
      tpu.wait_dma2 semaphore(%run_scoped3A : memref<!tpu.dma_semaphore, #tpu.memory_space<semaphore_mem>>) src(%arg10 : memref<800x64xf32, #tpu.memory_space<vmem>>) dst(%dma_wait3A_168 : memref<800x64xf32, #tpu.memory_space<hbm>>)
      tpu.yield
    }) : () -> ()
    return
  }
}

</mosaic_0001>

<sc_bundles>
// kernel: kernel.3.cloned.1.call-start
scs
__scs_entry_jumppad:
0x0: {  	(pc) =	sbr.rel $0x88, $3  }
0x1: {  	(tag) =	ssettag $0x0;
	lr =	simm.s32 $0x1  }
0x2: {  	[smem:$0x3F9E] =	sst lr;
	_ =	strace $0xD0000000  }
0x3: {  	_ = 	snop  }
0x4: {  	_ = 	snop  }
0x5: {  	_ = 	snop  }
0x6: {  	_ = 	snop  }
0x7: {  	_ = 	snop  }
__scs_overlays_trampoline_lowered:
0x8: {  	[smem:$0x3FAD] =	sst s0  }
0x9: {  	[smem:$0x3FAE] =	sst s1  }
0xa: {  	[smem:$0x3FAF] =	sst s2  }
0xb: {  	[smem:$0x3FB0] =	sst s3  }
0xc: {  	[smem:$0x3FB1] =	sst s4  }
0xd: {  	[smem:$0x3FB2] =	sst s5  }
0xe: {  	[smem:$0x3FB3] =	sst s6  }
0xf: {  	[smem:$0x3FB4] =	sst s7  }
0x10: {  	[smem:$0x3FB5] =	sst s8  }
0x11: {  	[smem:$0x3FB6] =	sst s9;
	s0 =	simm.s32 @!p0 $0x0  }
0x12: {  	s1 =	sld [smem:$0x3F9C];
	s0 =	simm.s32 @p0 $0x1  }
0x13: {  	[smem:$0x3FB7] =	sst s0;
	s0 =	simm.s32 @!p1 $0x0  }
0x14: {  	s2 =	sld [smem:$0x3F9B];
	s0 =	simm.s32 @p1 $0x1  }
0x15: {  	[smem:$0x3FB8] =	sst s0;
	s0 =	simm.s32 @!p2 $0x0  }
0x16: {  	s3 =	sld [smem:$0x3FDB];
	s0 =	simm.s32 @p2 $0x1  }
0x17: {  	s4 =	simm.s32 $0x1BF5;
	[smem:$0x3FBA] =	sst s0  }
0x18: {  	s0 =	sld [smem:$0x3F9D];
	_ =	swait.ge [sflag:s4], $0x0  }
0x19: {  	s7 =	sld [smem:$0x3F9E]  }
0x1a: {  	s8 =	sadd.s32 $0xFFFFE003, lr  }
0x1b: {  	s9 =	sadd.s32 $0xFFFFFEF7, lr;
	s5 =	simm.s32 $0xFFFFFFFF;
	p2 =	slt.u32 s8, $0xFFFFF086  }
0x1c: {  	p1 =	slt.u32 s9, $0xF7A;
	s5 =	simm.s32 @!p2 $0x0  }
0x1d: {  	s5 =	simm.s32 @p1 $0x1;
	p0 =	seq.s32 s7, s2  }
0x1e: {  	s7 =	smul.u32 @!p0 $0xF7A, s2;
	p2 =	seq.s32 @!p0 s5, $0x0  }
0x1f: {  	s9 =	smul.u32 $0xF7A, s1;
	s8 =	simm.s32 @!p0 $0x1BF5;
	p2 =	por !p2, p0  }
0x20: {  	[sflag:s8] =	ssyncset.s32 @!p0 $0xFFFFF086;
	s6 =	sadd.s32 @!p0 s3, s7;
	s7 =	simm.s32 @!p0 $0x108  }
0x21: {  	s3 =	sadd.s32 s3, s9;
	s6 =	sadd.s32 @!p0 $0x88, s6;
	s7 =	simm.s32 @p2 $0x1082  }
0x22: {  	[simem:s7], [sflag:s8] =	dma.local @!p0 [hbm:s6], $0xF7A  }
0x23: {  	s9 =	sor.u32 $0xD0000000, s2;
	s6 =	simm.s32 $0x108;
	_ =	swait.ge @!p0 [sflag:s8], $0x0  }
0x24: {  	s3 =	sadd.s32 $0x88, s3;
	s6 =	simm.s32 @!p1 $0x1082;
	[sflag:s4] =	ssyncset.s32 $0xFFFFF086  }
0x25: {  	[simem:s6], [sflag:s4] =	dma.local [hbm:s3], $0xF7A  }
0x26: {  	[smem:$0x3F9E] =	sst s1;
	(tag) =	ssettag s2;
	_ =	strace s9  }
0x27: {  	s1 =	sld [smem:$0x3FAE]  }
0x28: {  	s2 =	sld [smem:$0x3FAF]  }
0x29: {  	s4 =	sld [smem:$0x3FB1]  }
0x2a: {  	p0 =	seq.s32 s5, $0x0;
	s5 =	sld [smem:$0x3FB2]  }
0x2b: {  	s6 =	sld [smem:$0x3FB3]  }
0x2c: {  	s7 =	sld [smem:$0x3FB4]  }
0x2d: {  	s3 =	simm.s32 $0x108;
	s8 =	sld [smem:$0x3FB5]  }
0x2e: {  	s3 =	simm.s32 @!p0 $0x1082;
	s9 =	sld [smem:$0x3FB6]  }
0x2f: {  	lr =	sadd.s32 s0, s3;
	s0 =	sld [smem:$0x3FAD]  }
0x30: {  	s3 =	sld [smem:$0x3FB0]  }
0x31: {  	[smem:$0x3FB9] =	sst s10  }
0x32: {  	s10 =	sld [smem:$0x3FB7];
	_ =	sdelay $0x3  }
0x33: {  	p0 =	seq.s32 s10, $0x1;
	s10 =	sld [smem:$0x3FB9];
	_ =	sdelay $0x3  }
0x34: {  	[smem:$0x3FB9] =	sst s10  }
0x35: {  	s10 =	sld [smem:$0x3FB8];
	_ =	sdelay $0x3  }
0x36: {  	p1 =	seq.s32 s10, $0x1;
	s10 =	sld [smem:$0x3FB9];
	_ =	sdelay $0x3  }
0x37: {  	[smem:$0x3FB9] =	sst s10  }
0x38: {  	s10 =	sld [smem:$0x3FBA]  }
0x39: {  	_ = 	snop;
	(pc) =	sbr.ind lr, $3  }
0x3a: {  	_ = 	snop  }
0x3b: {  	_ = 	snop  }
0x3c: {  	p2 =	seq.s32 s10, $0x1;
	s10 =	sld [smem:$0x3FB9]  }
0x3d: {  	_ =	shalt  }
0x3e: {  	_ =	shalt  }
0x3f: {  	_ =	shalt  }
0x40: {  	_ =	shalt  }
0x41: {  	_ =	shalt  }
0x42: {  	_ =	shalt  }
0x43: {  	_ =	shalt  }
0x44: {  	_ =	shalt  }
0x45: {  	_ =	shalt  }
0x46: {  	_ =	shalt  }
0x47: {  	_ =	shalt  }
0x48: {  	_ =	shalt  }
0x49: {  	_ =	shalt  }
0x4a: {  	_ =	shalt  }
0x4b: {  	_ =	shalt  }
0x4c: {  	_ =	shalt  }
0x4d: {  	_ =	shalt  }
0x4e: {  	_ =	shalt  }
0x4f: {  	_ =	shalt  }
0x50: {  	_ =	shalt  }
0x51: {  	_ =	shalt  }
0x52: {  	_ =	shalt  }
0x53: {  	_ =	shalt  }
0x54: {  	_ =	shalt  }
0x55: {  	_ =	shalt  }
0x56: {  	_ =	shalt  }
0x57: {  	_ =	shalt  }
0x58: {  	_ =	shalt  }
0x59: {  	_ =	shalt  }
0x5a: {  	_ =	shalt  }
0x5b: {  	_ =	shalt  }
0x5c: {  	_ =	shalt  }
0x5d: {  	_ =	shalt  }
0x5e: {  	_ =	shalt  }
0x5f: {  	_ =	shalt  }
0x60: {  	_ =	shalt  }
0x61: {  	_ =	shalt  }
0x62: {  	_ =	shalt  }
0x63: {  	_ =	shalt  }
0x64: {  	_ =	shalt  }
0x65: {  	_ =	shalt  }
0x66: {  	_ =	shalt  }
0x67: {  	_ =	shalt  }
0x68: {  	_ =	shalt  }
0x69: {  	_ =	shalt  }
0x6a: {  	_ =	shalt  }
0x6b: {  	_ =	shalt  }
0x6c: {  	_ =	shalt  }
0x6d: {  	_ =	shalt  }
0x6e: {  	_ =	shalt  }
0x6f: {  	_ =	shalt  }
0x70: {  	_ =	shalt  }
0x71: {  	_ =	shalt  }
0x72: {  	_ =	shalt  }
0x73: {  	_ =	shalt  }
0x74: {  	_ =	shalt  }
0x75: {  	_ =	shalt  }
0x76: {  	_ =	shalt  }
0x77: {  	_ =	shalt  }
0x78: {  	_ =	shalt  }
0x79: {  	_ =	shalt  }
0x7a: {  	_ =	shalt  }
0x7b: {  	_ =	shalt  }
0x7c: {  	_ =	shalt  }
0x7d: {  	_ =	shalt  }
0x7e: {  	_ =	shalt  }
0x7f: {  	_ =	shalt  }
0x80: {  	_ =	shalt  }
0x81: {  	_ =	shalt  }
0x82: {  	_ =	shalt  }
0x83: {  	_ =	shalt  }
0x84: {  	_ =	shalt  }
0x85: {  	_ =	shalt  }
0x86: {  	_ =	shalt  }
0x87: {  	_ =	shalt  }
.Lfunc_end0:
.L_simem_size_0:
called_computation.2_lowered:
.L_overlay_start_0:
0x88: {  	s2 =	sld [smem:$0x3FD9]  }
0x89: {  	s3 =	sld [smem:$0x3FFE];
	_ =	sdelay $0x1  }
0x8a: {  	s1 =	srdreg.scid  }
0x8b: {  	s0 =	sand.u32 $0x1, s1  }
0x8c: {  	s14 =	sshll.u32 s0, $0xA;
	s2 =	sadd.s32 s3, s2  }
0x8d: {  	s2 =	sadd.s32 s2, s14  }
0x8e: {  	[smem:$0x3FC5] =	sst s2  }
0x8f: {  	_ = 	snop  }
0x90: {  	s2 =	sld [smem:$0x3FD0];
	_ =	sdelay $0x2  }
0x91: {  	s15 =	simm.s32 $0xB;
	s4 =	simm.s32 $0x10  }
0x92: {  	[smem:s4], [sflag:s15] =	dma.local [hbm:s2], $0x1  }
0x93: {  	_ =	swait.eq [sflag:s15], $0x1  }
0x94: {  	[sflag:s15] =	ssyncset.done $0x0  }
0x95: {  	s16 =	sld [smem:$0x10];
	[sflag:s15] =	ssyncadd.s32 $0xFFFFFFFF  }
0x96: {  	s17 =	sld [smem:$0x11];
	(tm) =	ssettm $0x1  }
0x97: {  	s18 =	sld [smem:$0x3FFB];
	_ =	sdelay $0x3  }
0x98: {  	_ =	strace s18  }
0x99: {  	s4 =	sld [smem:$0x3FFC];
	_ =	sdelay $0x3  }
0x9a: {  	_ =	strace s4  }
0x9b: {  	s4 =	sld [smem:$0x3FFD];
	_ =	sdelay $0x3  }
0x9c: {  	_ =	strace s4  }
0x9d: {  	_ =	strace $0x8FFFFFFF  }
0x9e: {  	s19 =	sld [smem:$0x3FDB];
	_ =	sdelay $0x1  }
0x9f: {  	s5 =	simm.s32 $_scs_section_size  }
0xa0: {  	s6 =	simm.s32 $_size__tile_overlayer_lowered;
	s7 =	simm.s32 $_tile_overlayer_lowered  }
0xa1: {  	s22 =	simm.s32 $0x1BFF;
	s21 =	sshll.u32 s7, $0x1;
	s4 =	sadd.s32 s5, s19  }
0xa2: {  	s8 =	simm.s32 $0x0;
	s20 =	sshll.u32 s6, $0x1;
	s6 =	sadd.s32 s21, s4  }
0xa3: {  	[timem:s8], [sflag:s22] =	dma.local [hbm:s6], s20  }
0xa4: {  	_ =	swait.ge [sflag:s22], s20  }
0xa5: {  	s5 =	ssub.s32 $0x0, s20;
	[sflag:s22] =	ssyncset.done $0x0  }
0xa6: {  	[sflag:s22] =	ssyncadd.s32 s5;
	_ =	sdelay $0x1  }
0xa7: {  	s23 =	simm.s32 $0x1B8B  }
0xa8: {  	_ =	swait.ge [sflag:s23], $0x1  }
0xa9: {  	[sflag:s23] =	ssyncset.done $0x0  }
0xaa: {  	s25 =	simm.s32 $0x1B8E;
	s24 =	sld [smem:$0x3FFE];
	[sflag:s23] =	ssyncadd.s32 $0xFFFFFFFF  }
0xab: {  	s26 =	simm.s32 $execute0_lowered;
	[smem:$0x3FD2] =	sst s25  }
0xac: {  	s6 =	sshll.u32 s26, $0x1;
	_ =	strace $0x80000046;
	[dreg:$0x1] =	wrdreg $0xFFFFFFFF  }
0xad: {  	s28 =	simm.s32 $_size_execute0_lowered;
	s4 =	sadd.s32 s4, s6;
	[dreg:$0x0] =	wrdreg $0x0  }
0xae: {  	s6 =	sshll.u32 s28, $0x1;
	[dreg:$0x2] =	wrdreg s4  }
0xaf: {  	[dreg:$0x3] =	wrdreg s6  }
0xb0: {  	[dreg:$0x4] =	wrdreg $0xC0  }
0xb1: {  	_ =	task [dreg:s8], $0x5FFFF  }
0xb2: {  	[dreg:$0x1] =	wrdreg $0xFFFFFFFF  }
0xb3: {  	[dreg:$0x0] =	wrdreg $0x60  }
0xb4: {  	[dreg:$0x2] =	wrdreg s24  }
0xb5: {  	[dreg:$0x3] =	wrdreg s16  }
0xb6: {  	[dreg:$0x4] =	wrdreg s17  }
0xb7: {  	[dreg:$0x5] =	wrdreg $0x9  }
0xb8: {  	_ =	task.clear_ibuf [dreg:s8], $0x6FFFF;
	_ =	strace $0x90000046  }
0xb9: {  	s29 =	simm.s32 $0x9;
	_ =	strace $0x80000048  }
0xba: {  	_ =	swait.ge [sflag:s29], $0x1  }
0xbb: {  	[sflag:s29] =	ssyncadd.s32 $0xFFFFFFFF  }
0xbc: {  	_ =	strace $0x90000048  }
0xbd: {  	_ =	sfence  }
0xbe: {  	s30 =	sld [smem:$0x0];
	_ =	sdelay $0x2  }
0xbf: {  	s31 =	sshll.u32 s1, $0xD;
	s1 =	sshrl.u32 s1, $0x2  }
0xc0: {  	s3 =	sand.u32 $0x4000, s31;
	s1 =	sadd.s32 s1, s30  }
0xc1: {  	s0 =	sor.u32 s3, s0;
	s1 =	sshll.u32 s1, $0x11  }
0xc2: {  	s0 =	sor.u32 s1, s0  }
0xc3: {  	s0 =	sadd.s32 $0x8F2B, s0  }
0xc4: {  	[sflag:s0] =	ssyncadd.remote.s32 $0x1  }
0xc5: {  	_ =	sfence.sel $0xFFFF  }
0xc6: {  	[dreg:$0x0] =	wrdreg $0xFFFFFFFF;
	(pc) =	sbr.abs _section_cstart, $3  }
0xc7: {  	[dreg:$0x1] =	wrdreg $0xFFFFFFFF  }
0xc8: {  	_ =	task.clear_ibuf [dreg:s8], $0x2FFFF;
	_ =	strace $0x9FFFFFFF  }
0xc9: {  	(tm) =	ssettm $0x7FFFFFFF  }
tec
execute0_lowered:
.L_overlay_start_1:
0x0: {  	(tag) =	ssettag $0x1  }
0x1: {  	s0 =	srdreg.scid;
	s1 =	stileid.u32  }
0x2: {  	s14 =	rddreg [dreg:$0x0];
	s3 =	sand.u32 $0x1, s0;
	s24 =	sshll.u32 s1, $0x1  }
0x3: {  	s16 =	rddreg [dreg:$0x1];
	s2 =	simm.s32 $0x0;
	s0 =	sor.u32 s3, s24  }
0x4: {  	[smem:$0x7FF] =	sst s2;
	s13 =	smul.u32 $0x1900, s0  }
0x5: {  	s12 =	sadd.s32 $0x7800, s14;
	[dreg:$0xf] =	wrdreg s3;
	s19 =	smul.u32 $0xC800, s0  }
0x6: {  	_ =	strace $0x80000047;
	s26 =	sshrl.u32 s13, $0x3;
	s25 =	sadd.s32 $0x320, s13  }
0x7: {  	s6 =	sadd.s32 $0x640, s13;
	s7 =	sadd.s32 s16, s19;
	s10 =	sadd.s32 $0x960, s13  }
0x8: {  	s15 =	sadd.s32 $0xC80, s13;
	s4 =	sadd.s32 s12, s26;
	[dreg:$0x6] =	wrdreg s7  }
0x9: {  	s17 =	sshrl.u32 s25, $0x3;
	s3 =	sshll.u32 s15, $0x3;
	[dreg:$0x4] =	wrdreg s4  }
0xa: {  	s18 =	sshrl.u32 s6, $0x3;
	s5 =	sadd.s32 s12, s17;
	[dreg:$0x10] =	wrdreg s3  }
0xb: {  	s21 =	sshll.u32 s25, $0x3;
	s8 =	sadd.s32 s12, s18;
	[dreg:$0x5] =	wrdreg s5  }
0xc: {  	s20 =	sshrl.u32 s10, $0x3;
	s9 =	sadd.s32 s16, s21;
	[dreg:$0x7] =	wrdreg s8  }
0xd: {  	s22 =	sshll.u32 s6, $0x3;
	s11 =	sadd.s32 s12, s20;
	[dreg:$0x8] =	wrdreg s9  }
0xe: {  	s25 =	sshll.u32 s10, $0x3;
	s4 =	sadd.s32 s16, s22;
	[dreg:$0x9] =	wrdreg s11  }
0xf: {  	s0 =	sadd.s32 $0xFA0, s13;
	s1 =	sadd.s32 s16, s25;
	[dreg:$0xa] =	wrdreg s4  }
0x10: {  	s24 =	sshrl.u32 s0, $0x3;
	[dreg:$0xc] =	wrdreg s1  }
0x11: {  	s6 =	sadd.s32 s12, s24;
	s4 =	rddreg [dreg:$0x4]  }
0x12: {  	s23 =	sshrl.u32 s15, $0x3;
	s7 =	sadd.s32 s16, s3;
	[dreg:$0xd] =	wrdreg s6  }
0x13: {  	s5 =	sadd.s32 s12, s23;
	[dreg:$0xe] =	wrdreg s7  }
0x14: {  	s3 =	simm.s32 $0x3;
	[dreg:$0xb] =	wrdreg s5  }
0x15: {  	[tilespmem:s2], [sflag:$0x3] =	stream.linear.gather [hbm4b:s4+s2], $0x320, $0x38;
	[tilespmem:$0x19640] =	vst v63  }
0x16: {  	_ =	swait.ge [sflag:s3], $0x320  }
0x17: {  	s6 =	simm.s32 $0x640;
	[sflag:s3] =	ssyncset.done $0x0  }
0x18: {  	s4 =	sadd.s32 $0xF43800, s14;
	s5 =	simm.s32 $0x320;
	[sflag:s3] =	ssyncadd.s32 $0xFFFFFCE0  }
0x19: {  	[tilespmem:s6], [sflag:$0x1] =	stream.indirect.gather [hbm4b:s4+s5], $0x40, s2, s5, $0xb8;
	[tilespmem:$0x19640] =	vst v63  }
0x1a: {  	s8 =	rddreg [dreg:$0x5]  }
0x1b: {  	[tilespmem:s5], [sflag:$0x3] =	stream.linear.gather [hbm4b:s8+s2], $0x320, $0x38;
	[tilespmem:$0x19640] =	vst v63  }
0x1c: {  	_ =	swait.ge [sflag:s3], $0x320  }
0x1d: {  	[sflag:s3] =	ssyncset.done $0x0  }
0x1e: {  	s7 =	simm.s32 $0xCE40;
	s8 =	simm.s32 $0x1;
	[sflag:s3] =	ssyncadd.s32 $0xFFFFFCE0  }
0x1f: {  	[tilespmem:s7], [sflag:$0x2] =	stream.indirect.gather [hbm4b:s4+s5], $0x40, s5, s5, $0xb8;
	[tilespmem:$0x19640] =	vst v63  }
0x20: {  	_ =	swait.ge [sflag:s8], $0xC800  }
0x21: {  	[sflag:s8] =	ssyncset.done $0x0  }
0x22: {  	s9 =	rddreg [dreg:$0x6];
	[sflag:s8] =	ssyncadd.s32 $0xFFFF3800  }
0x23: {  	[hbm4b:s9+s2] =	stream.linear.scatter [tilespmem:s6], [sflag:$0x3], $0xC800, $0x38;
	[tilespmem:$0x19640] =	vst v63  }
0x24: {  	_ =	swait.ge [sflag:s3], $0xC800  }
0x25: {  	[sflag:s3] =	ssyncset.done $0x0  }
0x26: {  	s10 =	rddreg [dreg:$0x7];
	[sflag:s3] =	ssyncadd.s32 $0xFFFF3800  }
0x27: {  	[tilespmem:s2], [sflag:$0x3] =	stream.linear.gather [hbm4b:s10+s2], $0x320, $0x38;
	[tilespmem:$0x19640] =	vst v63  }
0x28: {  	_ =	swait.ge [sflag:s3], $0x320  }
0x29: {  	[sflag:s3] =	ssyncset.done $0x0  }
0x2a: {  	s9 =	simm.s32 $0x2;
	[sflag:s3] =	ssyncadd.s32 $0xFFFFFCE0  }
0x2b: {  	[tilespmem:s6], [sflag:$0x1] =	stream.indirect.gather [hbm4b:s4+s5], $0x40, s2, s5, $0xb8;
	[tilespmem:$0x19640] =	vst v63  }
0x2c: {  	_ =	swait.ge [sflag:s9], $0xC800  }
0x2d: {  	[sflag:s9] =	ssyncset.done $0x0  }
0x2e: {  	s11 =	rddreg [dreg:$0x8];
	[sflag:s9] =	ssyncadd.s32 $0xFFFF3800  }
0x2f: {  	[hbm4b:s11+s2] =	stream.linear.scatter [tilespmem:s7], [sflag:$0x3], $0xC800, $0x38;
	[tilespmem:$0x19640] =	vst v63  }
0x30: {  	_ =	swait.ge [sflag:s3], $0xC800  }
0x31: {  	[sflag:s3] =	ssyncset.done $0x0  }
0x32: {  	s15 =	rddreg [dreg:$0x9];
	[sflag:s3] =	ssyncadd.s32 $0xFFFF3800  }
0x33: {  	[tilespmem:s5], [sflag:$0x3] =	stream.linear.gather [hbm4b:s15+s2], $0x320, $0x38;
	[tilespmem:$0x19640] =	vst v63  }
0x34: {  	_ =	swait.ge [sflag:s3], $0x320  }
0x35: {  	[sflag:s3] =	ssyncset.done $0x0  }
0x36: {  	[sflag:s3] =	ssyncadd.s32 $0xFFFFFCE0  }
0x37: {  	[tilespmem:s7], [sflag:$0x2] =	stream.indirect.gather [hbm4b:s4+s5], $0x40, s5, s5, $0xb8;
	[tilespmem:$0x19640] =	vst v63  }
0x38: {  	_ =	swait.ge [sflag:s8], $0xC800  }
0x39: {  	[sflag:s8] =	ssyncset.done $0x0  }
0x3a: {  	s10 =	rddreg [dreg:$0xa];
	[sflag:s8] =	ssyncadd.s32 $0xFFFF3800  }
0x3b: {  	[hbm4b:s10+s2] =	stream.linear.scatter [tilespmem:s6], [sflag:$0x3], $0xC800, $0x38;
	[tilespmem:$0x19640] =	vst v63  }
0x3c: {  	_ =	swait.ge [sflag:s3], $0xC800  }
0x3d: {  	[sflag:s3] =	ssyncset.done $0x0  }
0x3e: {  	s11 =	rddreg [dreg:$0xb];
	[sflag:s3] =	ssyncadd.s32 $0xFFFF3800  }
0x3f: {  	[tilespmem:s2], [sflag:$0x3] =	stream.linear.gather [hbm4b:s11+s2], $0x320, $0x38;
	[tilespmem:$0x19640] =	vst v63  }
0x40: {  	_ =	swait.ge [sflag:s3], $0x320  }
0x41: {  	[sflag:s3] =	ssyncset.done $0x0  }
0x42: {  	[sflag:s3] =	ssyncadd.s32 $0xFFFFFCE0  }
0x43: {  	[tilespmem:s6], [sflag:$0x1] =	stream.indirect.gather [hbm4b:s4+s5], $0x40, s2, s5, $0xb8;
	[tilespmem:$0x19640] =	vst v63  }
0x44: {  	_ =	swait.ge [sflag:s9], $0xC800  }
0x45: {  	[sflag:s9] =	ssyncset.done $0x0  }
0x46: {  	s15 =	rddreg [dreg:$0xc];
	[sflag:s9] =	ssyncadd.s32 $0xFFFF3800  }
0x47: {  	[hbm4b:s15+s2] =	stream.linear.scatter [tilespmem:s7], [sflag:$0x3], $0xC800, $0x38;
	[tilespmem:$0x19640] =	vst v63  }
0x48: {  	_ =	swait.ge [sflag:s3], $0xC800  }
0x49: {  	[sflag:s3] =	ssyncset.done $0x0  }
0x4a: {  	s10 =	rddreg [dreg:$0xd];
	[sflag:s3] =	ssyncadd.s32 $0xFFFF3800  }
0x4b: {  	[tilespmem:s5], [sflag:$0x3] =	stream.linear.gather [hbm4b:s10+s2], $0x320, $0x38;
	[tilespmem:$0x19640] =	vst v63  }
0x4c: {  	_ =	swait.ge [sflag:s3], $0x320  }
0x4d: {  	[sflag:s3] =	ssyncset.done $0x0  }
0x4e: {  	[sflag:s3] =	ssyncadd.s32 $0xFFFFFCE0  }
0x4f: {  	[tilespmem:s7], [sflag:$0x2] =	stream.indirect.gather [hbm4b:s4+s5], $0x40, s5, s5, $0xb8;
	[tilespmem:$0x19640] =	vst v63  }
0x50: {  	_ =	swait.ge [sflag:s8], $0xC800  }
0x51: {  	[sflag:s8] =	ssyncset.done $0x0  }
0x52: {  	s11 =	rddreg [dreg:$0xe];
	[sflag:s8] =	ssyncadd.s32 $0xFFFF3800  }
0x53: {  	[hbm4b:s11+s2] =	stream.linear.scatter [tilespmem:s6], [sflag:$0x3], $0xC800, $0x38;
	[tilespmem:$0x19640] =	vst v63  }
0x54: {  	s1 =	sadd.s32 $0x12C0, s13;
	_ =	swait.ge [sflag:s3], $0xC800  }
0x55: {  	s28 =	sshrl.u32 s1, $0x3;
	[sflag:s3] =	ssyncset.done $0x0  }
0x56: {  	s10 =	sadd.s32 s12, s28;
	[sflag:s3] =	ssyncadd.s32 $0xFFFF3800  }
0x57: {  	[tilespmem:s2], [sflag:$0x3] =	stream.linear.gather [hbm4b:s10+s2], $0x320, $0x38;
	[tilespmem:$0x19640] =	vst v63  }
0x58: {  	_ =	swait.ge [sflag:s3], $0x320  }
0x59: {  	[sflag:s3] =	ssyncset.done $0x0  }
0x5a: {  	[sflag:s3] =	ssyncadd.s32 $0xFFFFFCE0  }
0x5b: {  	[tilespmem:s6], [sflag:$0x1] =	stream.indirect.gather [hbm4b:s4+s5], $0x40, s2, s5, $0xb8;
	[tilespmem:$0x19640] =	vst v63  }
0x5c: {  	_ =	swait.ge [sflag:s9], $0xC800  }
0x5d: {  	s29 =	sshll.u32 s0, $0x3;
	[sflag:s9] =	ssyncset.done $0x0  }
0x5e: {  	s11 =	sadd.s32 s16, s29;
	[sflag:s9] =	ssyncadd.s32 $0xFFFF3800  }
0x5f: {  	[hbm4b:s11+s2] =	stream.linear.scatter [tilespmem:s7], [sflag:$0x3], $0xC800, $0x38;
	[tilespmem:$0x19640] =	vst v63  }
0x60: {  	s15 =	sadd.s32 $0x15E0, s13;
	_ =	swait.ge [sflag:s3], $0xC800  }
0x61: {  	s30 =	sshrl.u32 s15, $0x3;
	[sflag:s3] =	ssyncset.done $0x0  }
0x62: {  	s12 =	sadd.s32 s12, s30;
	[sflag:s3] =	ssyncadd.s32 $0xFFFF3800  }
0x63: {  	[tilespmem:s5], [sflag:$0x3] =	stream.linear.gather [hbm4b:s12+s2], $0x320, $0x38;
	[tilespmem:$0x19640] =	vst v63  }
0x64: {  	_ =	swait.ge [sflag:s3], $0x320  }
0x65: {  	[sflag:s3] =	ssyncset.done $0x0  }
0x66: {  	[sflag:s3] =	ssyncadd.s32 $0xFFFFFCE0  }
0x67: {  	[tilespmem:s7], [sflag:$0x2] =	stream.indirect.gather [hbm4b:s4+s5], $0x40, s5, s5, $0xb8;
	[tilespmem:$0x19640] =	vst v63  }
0x68: {  	_ =	swait.ge [sflag:s8], $0xC800  }
0x69: {  	s31 =	sshll.u32 s1, $0x3;
	[sflag:s8] =	ssyncset.done $0x0  }
0x6a: {  	s13 =	sadd.s32 s16, s31;
	[sflag:s8] =	ssyncadd.s32 $0xFFFF3800  }
0x6b: {  	[hbm4b:s13+s2] =	stream.linear.scatter [tilespmem:s6], [sflag:$0x3], $0xC800, $0x38;
	[tilespmem:$0x19640] =	vst v63  }
0x6c: {  	_ =	swait.ge [sflag:s3], $0xC800  }
0x6d: {  	s0 =	sadd.s32 $0x1400, s14;
	[sflag:s3] =	ssyncset.done $0x0  }
0x6e: {  	s14 =	sadd.s32 s0, s26;
	[sflag:s3] =	ssyncadd.s32 $0xFFFF3800  }
0x6f: {  	[tilespmem:s2], [sflag:$0x3] =	stream.linear.gather [hbm4b:s14+s2], $0x320, $0x38;
	[tilespmem:$0x19640] =	vst v63  }
0x70: {  	_ =	swait.ge [sflag:s3], $0x320  }
0x71: {  	[sflag:s3] =	ssyncset.done $0x0  }
0x72: {  	[sflag:s3] =	ssyncadd.s32 $0xFFFFFCE0  }
0x73: {  	[tilespmem:s6], [sflag:$0x1] =	stream.indirect.gather [hbm4b:s4+s5], $0x40, s2, s5, $0xb8;
	[tilespmem:$0x19640] =	vst v63  }
0x74: {  	_ =	swait.ge [sflag:s9], $0xC800  }
0x75: {  	s15 =	sshll.u32 s15, $0x3;
	[sflag:s9] =	ssyncset.done $0x0  }
0x76: {  	[dreg:$0x11] =	wrdreg s15;
	s15 =	sadd.s32 s16, s15;
	[sflag:s9] =	ssyncadd.s32 $0xFFFF3800  }
0x77: {  	[hbm4b:s15+s2] =	stream.linear.scatter [tilespmem:s7], [sflag:$0x3], $0xC800, $0x38;
	[tilespmem:$0x19640] =	vst v63  }
0x78: {  	_ =	swait.ge [sflag:s3], $0xC800  }
0x79: {  	[sflag:s3] =	ssyncset.done $0x0  }
0x7a: {  	s16 =	sadd.s32 s0, s17;
	[sflag:s3] =	ssyncadd.s32 $0xFFFF3800  }
0x7b: {  	[tilespmem:s5], [sflag:$0x3] =	stream.linear.gather [hbm4b:s16+s2], $0x320, $0x38;
	[tilespmem:$0x19640] =	vst v63  }
0x7c: {  	_ =	swait.ge [sflag:s3], $0x320  }
0x7d: {  	[sflag:s3] =	ssyncset.done $0x0  }
0x7e: {  	[sflag:s3] =	ssyncadd.s32 $0xFFFFFCE0  }
0x7f: {  	[tilespmem:s7], [sflag:$0x2] =	stream.indirect.gather [hbm4b:s4+s5], $0x40, s5, s5, $0xb8;
	[tilespmem:$0x19640] =	vst v63  }
0x80: {  	_ =	swait.ge [sflag:s8], $0xC800  }
0x81: {  	[sflag:s8] =	ssyncset.done $0x0  }
0x82: {  	s1 =	rddreg [dreg:$0x2]  }
0x83: {  	[sflag:s8] =	ssyncadd.s32 $0xFFFF3800;
	s17 =	sadd.s32 s1, s19  }
0x84: {  	[hbm4b:s17+s2] =	stream.linear.scatter [tilespmem:s6], [sflag:$0x3], $0xC800, $0x38;
	[tilespmem:$0x19640] =	vst v63  }
0x85: {  	_ =	swait.ge [sflag:s3], $0xC800  }
0x86: {  	[sflag:s3] =	ssyncset.done $0x0  }
0x87: {  	s18 =	sadd.s32 s0, s18;
	[sflag:s3] =	ssyncadd.s32 $0xFFFF3800  }
0x88: {  	[tilespmem:s2], [sflag:$0x3] =	stream.linear.gather [hbm4b:s18+s2], $0x320, $0x38;
	[tilespmem:$0x19640] =	vst v63  }
0x89: {  	_ =	swait.ge [sflag:s3], $0x320  }
0x8a: {  	[sflag:s3] =	ssyncset.done $0x0  }
0x8b: {  	[sflag:s3] =	ssyncadd.s32 $0xFFFFFCE0  }
0x8c: {  	[tilespmem:s6], [sflag:$0x1] =	stream.indirect.gather [hbm4b:s4+s5], $0x40, s2, s5, $0xb8;
	[tilespmem:$0x19640] =	vst v63  }
0x8d: {  	_ =	swait.ge [sflag:s9], $0xC800  }
0x8e: {  	[sflag:s9] =	ssyncset.done $0x0  }
0x8f: {  	s19 =	sadd.s32 s1, s21;
	[sflag:s9] =	ssyncadd.s32 $0xFFFF3800  }
0x90: {  	[hbm4b:s19+s2] =	stream.linear.scatter [tilespmem:s7], [sflag:$0x3], $0xC800, $0x38;
	[tilespmem:$0x19640] =	vst v63  }
0x91: {  	_ =	swait.ge [sflag:s3], $0xC800  }
0x92: {  	[sflag:s3] =	ssyncset.done $0x0  }
0x93: {  	s20 =	sadd.s32 s0, s20;
	[sflag:s3] =	ssyncadd.s32 $0xFFFF3800  }
0x94: {  	[tilespmem:s5], [sflag:$0x3] =	stream.linear.gather [hbm4b:s20+s2], $0x320, $0x38;
	[tilespmem:$0x19640] =	vst v63  }
0x95: {  	_ =	swait.ge [sflag:s3], $0x320  }
0x96: {  	[sflag:s3] =	ssyncset.done $0x0  }
0x97: {  	[sflag:s3] =	ssyncadd.s32 $0xFFFFFCE0  }
0x98: {  	[tilespmem:s7], [sflag:$0x2] =	stream.indirect.gather [hbm4b:s4+s5], $0x40, s5, s5, $0xb8;
	[tilespmem:$0x19640] =	vst v63  }
0x99: {  	_ =	swait.ge [sflag:s8], $0xC800  }
0x9a: {  	[sflag:s8] =	ssyncset.done $0x0  }
0x9b: {  	s21 =	sadd.s32 s1, s22;
	[sflag:s8] =	ssyncadd.s32 $0xFFFF3800  }
0x9c: {  	[hbm4b:s21+s2] =	stream.linear.scatter [tilespmem:s6], [sflag:$0x3], $0xC800, $0x38;
	[tilespmem:$0x19640] =	vst v63  }
0x9d: {  	_ =	swait.ge [sflag:s3], $0xC800  }
0x9e: {  	[sflag:s3] =	ssyncset.done $0x0  }
0x9f: {  	s22 =	sadd.s32 s0, s23;
	[sflag:s3] =	ssyncadd.s32 $0xFFFF3800  }
0xa0: {  	[tilespmem:s2], [sflag:$0x3] =	stream.linear.gather [hbm4b:s22+s2], $0x320, $0x38;
	[tilespmem:$0x19640] =	vst v63  }
0xa1: {  	_ =	swait.ge [sflag:s3], $0x320  }
0xa2: {  	[sflag:s3] =	ssyncset.done $0x0  }
0xa3: {  	[sflag:s3] =	ssyncadd.s32 $0xFFFFFCE0  }
0xa4: {  	[tilespmem:s6], [sflag:$0x1] =	stream.indirect.gather [hbm4b:s4+s5], $0x40, s2, s5, $0xb8;
	[tilespmem:$0x19640] =	vst v63  }
0xa5: {  	_ =	swait.ge [sflag:s9], $0xC800  }
0xa6: {  	[sflag:s9] =	ssyncset.done $0x0  }
0xa7: {  	s23 =	sadd.s32 s1, s25;
	[sflag:s9] =	ssyncadd.s32 $0xFFFF3800  }
0xa8: {  	[hbm4b:s23+s2] =	stream.linear.scatter [tilespmem:s7], [sflag:$0x3], $0xC800, $0x38;
	[tilespmem:$0x19640] =	vst v63  }
0xa9: {  	_ =	swait.ge [sflag:s3], $0xC800  }
0xaa: {  	[sflag:s3] =	ssyncset.done $0x0  }
0xab: {  	s24 =	sadd.s32 s0, s24;
	[sflag:s3] =	ssyncadd.s32 $0xFFFF3800  }
0xac: {  	[tilespmem:s5], [sflag:$0x3] =	stream.linear.gather [hbm4b:s24+s2], $0x320, $0x38;
	[tilespmem:$0x19640] =	vst v63  }
0xad: {  	_ =	swait.ge [sflag:s3], $0x320  }
0xae: {  	[sflag:s3] =	ssyncset.done $0x0  }
0xaf: {  	[sflag:s3] =	ssyncadd.s32 $0xFFFFFCE0  }
0xb0: {  	[tilespmem:s7], [sflag:$0x2] =	stream.indirect.gather [hbm4b:s4+s5], $0x40, s5, s5, $0xb8;
	[tilespmem:$0x19640] =	vst v63  }
0xb1: {  	_ =	swait.ge [sflag:s8], $0xC800  }
0xb2: {  	[sflag:s8] =	ssyncset.done $0x0;
	s26 =	rddreg [dreg:$0x10]  }
0xb3: {  	s25 =	sadd.s32 s1, s26;
	[sflag:s8] =	ssyncadd.s32 $0xFFFF3800  }
0xb4: {  	[hbm4b:s25+s2] =	stream.linear.scatter [tilespmem:s6], [sflag:$0x3], $0xC800, $0x38;
	[tilespmem:$0x19640] =	vst v63  }
0xb5: {  	_ =	swait.ge [sflag:s3], $0xC800  }
0xb6: {  	[sflag:s3] =	ssyncset.done $0x0  }
0xb7: {  	s26 =	sadd.s32 s0, s28;
	[sflag:s3] =	ssyncadd.s32 $0xFFFF3800  }
0xb8: {  	[tilespmem:s2], [sflag:$0x3] =	stream.linear.gather [hbm4b:s26+s2], $0x320, $0x38;
	[tilespmem:$0x19640] =	vst v63  }
0xb9: {  	_ =	swait.ge [sflag:s3], $0x320  }
0xba: {  	[sflag:s3] =	ssyncset.done $0x0  }
0xbb: {  	[sflag:s3] =	ssyncadd.s32 $0xFFFFFCE0  }
0xbc: {  	[tilespmem:s6], [sflag:$0x1] =	stream.indirect.gather [hbm4b:s4+s5], $0x40, s2, s5, $0xb8;
	[tilespmem:$0x19640] =	vst v63  }
0xbd: {  	_ =	swait.ge [sflag:s9], $0xC800  }
0xbe: {  	[sflag:s9] =	ssyncset.done $0x0  }
0xbf: {  	s28 =	sadd.s32 s1, s29;
	[sflag:s9] =	ssyncadd.s32 $0xFFFF3800  }
0xc0: {  	[hbm4b:s28+s2] =	stream.linear.scatter [tilespmem:s7], [sflag:$0x3], $0xC800, $0x38;
	[tilespmem:$0x19640] =	vst v63  }
0xc1: {  	_ =	swait.ge [sflag:s3], $0xC800  }
0xc2: {  	[sflag:s3] =	ssyncset.done $0x0  }
0xc3: {  	s29 =	sadd.s32 s0, s30;
	[sflag:s3] =	ssyncadd.s32 $0xFFFF3800  }
0xc4: {  	[tilespmem:s5], [sflag:$0x3] =	stream.linear.gather [hbm4b:s29+s2], $0x320, $0x38;
	[tilespmem:$0x19640] =	vst v63  }
0xc5: {  	_ =	swait.ge [sflag:s3], $0x320  }
0xc6: {  	[sflag:s3] =	ssyncset.done $0x0  }
0xc7: {  	[sflag:s3] =	ssyncadd.s32 $0xFFFFFCE0  }
0xc8: {  	[tilespmem:s7], [sflag:$0x2] =	stream.indirect.gather [hbm4b:s4+s5], $0x40, s5, s5, $0xb8;
	[tilespmem:$0x19640] =	vst v63  }
0xc9: {  	_ =	swait.ge [sflag:s8], $0xC800  }
0xca: {  	[sflag:s8] =	ssyncset.done $0x0  }
0xcb: {  	s30 =	sadd.s32 s1, s31;
	[sflag:s8] =	ssyncadd.s32 $0xFFFF3800  }
0xcc: {  	[hbm4b:s30+s2] =	stream.linear.scatter [tilespmem:s6], [sflag:$0x3], $0xC800, $0x38;
	[tilespmem:$0x19640] =	vst v63  }
0xcd: {  	_ =	swait.ge [sflag:s3], $0xC800  }
0xce: {  	s0 =	rddreg [dreg:$0xf]  }
0xcf: {  	s0 =	ssub.s32 $0x2, s0  }
0xd0: {  	s31 =	sshrl.u32 s0, $0x1  }
0xd1: {  	s0 =	ssub.s32 s0, s31  }
0xd2: {  	[sflag:s3] =	ssyncset.done $0x0;
	s0 =	smax.u32 s0, $0x1  }
0xd3: {  	[sflag:s3] =	ssyncadd.s32 $0xFFFF3800;
	p0 =	sne.s32 s0, $0x1  }
.Ltmp0:
0xd4: {  	_ =	swait.ge [sflag:s9], $0xC800;
	(pc) =	sbr.rel @!p0 .LBB2_2-.Ltmp0, $4  }
0xd5: {  	[sflag:s9] =	ssyncset.done $0x0;
	s31 =	rddreg [dreg:$0x11]  }
0xd6: {  	s31 =	sadd.s32 s1, s31;
	[sflag:s9] =	ssyncadd.s32 $0xFFFF3800  }
0xd7: {  	[hbm4b:s31+s2] =	stream.linear.scatter [tilespmem:s7], [sflag:$0x3], $0xC800, $0x38;
	[tilespmem:$0x19640] =	vst v63  }
0xd8: {  	s1 =	sadd.s32 $0xFFFFFFFF, s0;
	_ =	swait.ge [sflag:s3], $0xC800  }
.LBB2_1:
0xd9: {  	[sflag:s3] =	ssyncset.done $0x0  }
0xda: {  	s0 =	rddreg [dreg:$0x4];
	[sflag:s3] =	ssyncadd.s32 $0xFFFF3800  }
0xdb: {  	[tilespmem:s2], [sflag:$0x3] =	stream.linear.gather [hbm4b:s0+s2], $0x320, $0x38;
	[tilespmem:$0x19640] =	vst v63  }
0xdc: {  	_ =	swait.ge [sflag:s3], $0x320  }
0xdd: {  	[sflag:s3] =	ssyncset.done $0x0  }
0xde: {  	[sflag:s3] =	ssyncadd.s32 $0xFFFFFCE0  }
0xdf: {  	[tilespmem:s6], [sflag:$0x1] =	stream.indirect.gather [hbm4b:s4+s5], $0x40, s2, s5, $0xb8;
	[tilespmem:$0x19640] =	vst v63  }
0xe0: {  	s0 =	rddreg [dreg:$0x5]  }
0xe1: {  	[tilespmem:s5], [sflag:$0x3] =	stream.linear.gather [hbm4b:s0+s2], $0x320, $0x38;
	[tilespmem:$0x19640] =	vst v63  }
0xe2: {  	_ =	swait.ge [sflag:s3], $0x320  }
0xe3: {  	[sflag:s3] =	ssyncset.done $0x0  }
0xe4: {  	[sflag:s3] =	ssyncadd.s32 $0xFFFFFCE0  }
0xe5: {  	[tilespmem:s7], [sflag:$0x2] =	stream.indirect.gather [hbm4b:s4+s5], $0x40, s5, s5, $0xb8;
	[tilespmem:$0x19640] =	vst v63  }
0xe6: {  	_ =	swait.ge [sflag:s8], $0xC800  }
0xe7: {  	[sflag:s8] =	ssyncset.done $0x0  }
0xe8: {  	s0 =	rddreg [dreg:$0x6];
	[sflag:s8] =	ssyncadd.s32 $0xFFFF3800  }
0xe9: {  	[hbm4b:s0+s2] =	stream.linear.scatter [tilespmem:s6], [sflag:$0x3], $0xC800, $0x38;
	[tilespmem:$0x19640] =	vst v63  }
0xea: {  	_ =	swait.ge [sflag:s3], $0xC800  }
0xeb: {  	[sflag:s3] =	ssyncset.done $0x0  }
0xec: {  	s0 =	rddreg [dreg:$0x7];
	[sflag:s3] =	ssyncadd.s32 $0xFFFF3800  }
0xed: {  	[tilespmem:s2], [sflag:$0x3] =	stream.linear.gather [hbm4b:s0+s2], $0x320, $0x38;
	[tilespmem:$0x19640] =	vst v63  }
0xee: {  	_ =	swait.ge [sflag:s3], $0x320  }
0xef: {  	[sflag:s3] =	ssyncset.done $0x0  }
0xf0: {  	[sflag:s3] =	ssyncadd.s32 $0xFFFFFCE0  }
0xf1: {  	[tilespmem:s6], [sflag:$0x1] =	stream.indirect.gather [hbm4b:s4+s5], $0x40, s2, s5, $0xb8;
	[tilespmem:$0x19640] =	vst v63  }
0xf2: {  	_ =	swait.ge [sflag:s9], $0xC800  }
0xf3: {  	[sflag:s9] =	ssyncset.done $0x0  }
0xf4: {  	s0 =	rddreg [dreg:$0x8];
	[sflag:s9] =	ssyncadd.s32 $0xFFFF3800  }
0xf5: {  	[hbm4b:s0+s2] =	stream.linear.scatter [tilespmem:s7], [sflag:$0x3], $0xC800, $0x38;
	[tilespmem:$0x19640] =	vst v63  }
0xf6: {  	_ =	swait.ge [sflag:s3], $0xC800  }
0xf7: {  	[sflag:s3] =	ssyncset.done $0x0  }
0xf8: {  	s0 =	rddreg [dreg:$0x9];
	[sflag:s3] =	ssyncadd.s32 $0xFFFF3800  }
0xf9: {  	[tilespmem:s5], [sflag:$0x3] =	stream.linear.gather [hbm4b:s0+s2], $0x320, $0x38;
	[tilespmem:$0x19640] =	vst v63  }
0xfa: {  	_ =	swait.ge [sflag:s3], $0x320  }
0xfb: {  	[sflag:s3] =	ssyncset.done $0x0  }
0xfc: {  	[sflag:s3] =	ssyncadd.s32 $0xFFFFFCE0  }
0xfd: {  	[tilespmem:s7], [sflag:$0x2] =	stream.indirect.gather [hbm4b:s4+s5], $0x40, s5, s5, $0xb8;
	[tilespmem:$0x19640] =	vst v63  }
0xfe: {  	_ =	swait.ge [sflag:s8], $0xC800  }
0xff: {  	[sflag:s8] =	ssyncset.done $0x0  }
0x100: {  	s0 =	rddreg [dreg:$0xa];
	[sflag:s8] =	ssyncadd.s32 $0xFFFF3800  }
0x101: {  	[hbm4b:s0+s2] =	stream.linear.scatter [tilespmem:s6], [sflag:$0x3], $0xC800, $0x38;
	[tilespmem:$0x19640] =	vst v63  }
0x102: {  	_ =	swait.ge [sflag:s3], $0xC800  }
0x103: {  	[sflag:s3] =	ssyncset.done $0x0  }
0x104: {  	s0 =	rddreg [dreg:$0xb];
	[sflag:s3] =	ssyncadd.s32 $0xFFFF3800  }
0x105: {  	[tilespmem:s2], [sflag:$0x3] =	stream.linear.gather [hbm4b:s0+s2], $0x320, $0x38;
	[tilespmem:$0x19640] =	vst v63  }
0x106: {  	_ =	swait.ge [sflag:s3], $0x320  }
0x107: {  	[sflag:s3] =	ssyncset.done $0x0  }
0x108: {  	[sflag:s3] =	ssyncadd.s32 $0xFFFFFCE0  }
0x109: {  	[tilespmem:s6], [sflag:$0x1] =	stream.indirect.gather [hbm4b:s4+s5], $0x40, s2, s5, $0xb8;
	[tilespmem:$0x19640] =	vst v63  }
0x10a: {  	_ =	swait.ge [sflag:s9], $0xC800  }
0x10b: {  	[sflag:s9] =	ssyncset.done $0x0  }
0x10c: {  	s0 =	rddreg [dreg:$0xc];
	[sflag:s9] =	ssyncadd.s32 $0xFFFF3800  }
0x10d: {  	[hbm4b:s0+s2] =	stream.linear.scatter [tilespmem:s7], [sflag:$0x3], $0xC800, $0x38;
	[tilespmem:$0x19640] =	vst v63  }
0x10e: {  	_ =	swait.ge [sflag:s3], $0xC800  }
0x10f: {  	[sflag:s3] =	ssyncset.done $0x0  }
0x110: {  	s0 =	rddreg [dreg:$0xd];
	[sflag:s3] =	ssyncadd.s32 $0xFFFF3800  }
0x111: {  	[tilespmem:s5], [sflag:$0x3] =	stream.linear.gather [hbm4b:s0+s2], $0x320, $0x38;
	[tilespmem:$0x19640] =	vst v63  }
0x112: {  	_ =	swait.ge [sflag:s3], $0x320  }
0x113: {  	[sflag:s3] =	ssyncset.done $0x0  }
0x114: {  	[sflag:s3] =	ssyncadd.s32 $0xFFFFFCE0  }
0x115: {  	[tilespmem:s7], [sflag:$0x2] =	stream.indirect.gather [hbm4b:s4+s5], $0x40, s5, s5, $0xb8;
	[tilespmem:$0x19640] =	vst v63  }
0x116: {  	_ =	swait.ge [sflag:s8], $0xC800  }
0x117: {  	[sflag:s8] =	ssyncset.done $0x0  }
0x118: {  	s0 =	rddreg [dreg:$0xe];
	[sflag:s8] =	ssyncadd.s32 $0xFFFF3800  }
0x119: {  	[hbm4b:s0+s2] =	stream.linear.scatter [tilespmem:s6], [sflag:$0x3], $0xC800, $0x38;
	[tilespmem:$0x19640] =	vst v63  }
0x11a: {  	_ =	swait.ge [sflag:s3], $0xC800  }
0x11b: {  	[sflag:s3] =	ssyncset.done $0x0  }
0x11c: {  	[sflag:s3] =	ssyncadd.s32 $0xFFFF3800  }
0x11d: {  	[tilespmem:s2], [sflag:$0x3] =	stream.linear.gather [hbm4b:s10+s2], $0x320, $0x38;
	[tilespmem:$0x19640] =	vst v63  }
0x11e: {  	_ =	swait.ge [sflag:s3], $0x320  }
0x11f: {  	[sflag:s3] =	ssyncset.done $0x0  }
0x120: {  	[sflag:s3] =	ssyncadd.s32 $0xFFFFFCE0  }
0x121: {  	[tilespmem:s6], [sflag:$0x1] =	stream.indirect.gather [hbm4b:s4+s5], $0x40, s2, s5, $0xb8;
	[tilespmem:$0x19640] =	vst v63  }
0x122: {  	_ =	swait.ge [sflag:s9], $0xC800  }
0x123: {  	[sflag:s9] =	ssyncset.done $0x0  }
0x124: {  	[sflag:s9] =	ssyncadd.s32 $0xFFFF3800  }
0x125: {  	[hbm4b:s11+s2] =	stream.linear.scatter [tilespmem:s7], [sflag:$0x3], $0xC800, $0x38;
	[tilespmem:$0x19640] =	vst v63  }
0x126: {  	_ =	swait.ge [sflag:s3], $0xC800  }
0x127: {  	[sflag:s3] =	ssyncset.done $0x0  }
0x128: {  	[sflag:s3] =	ssyncadd.s32 $0xFFFF3800  }
0x129: {  	[tilespmem:s5], [sflag:$0x3] =	stream.linear.gather [hbm4b:s12+s2], $0x320, $0x38;
	[tilespmem:$0x19640] =	vst v63  }
0x12a: {  	_ =	swait.ge [sflag:s3], $0x320  }
0x12b: {  	[sflag:s3] =	ssyncset.done $0x0  }
0x12c: {  	[sflag:s3] =	ssyncadd.s32 $0xFFFFFCE0  }
0x12d: {  	[tilespmem:s7], [sflag:$0x2] =	stream.indirect.gather [hbm4b:s4+s5], $0x40, s5, s5, $0xb8;
	[tilespmem:$0x19640] =	vst v63  }
0x12e: {  	_ =	swait.ge [sflag:s8], $0xC800  }
0x12f: {  	[sflag:s8] =	ssyncset.done $0x0  }
0x130: {  	[sflag:s8] =	ssyncadd.s32 $0xFFFF3800  }
0x131: {  	[hbm4b:s13+s2] =	stream.linear.scatter [tilespmem:s6], [sflag:$0x3], $0xC800, $0x38;
	[tilespmem:$0x19640] =	vst v63  }
0x132: {  	_ =	swait.ge [sflag:s3], $0xC800  }
0x133: {  	[sflag:s3] =	ssyncset.done $0x0  }
0x134: {  	[sflag:s3] =	ssyncadd.s32 $0xFFFF3800  }
0x135: {  	[tilespmem:s2], [sflag:$0x3] =	stream.linear.gather [hbm4b:s14+s2], $0x320, $0x38;
	[tilespmem:$0x19640] =	vst v63  }
0x136: {  	_ =	swait.ge [sflag:s3], $0x320  }
0x137: {  	[sflag:s3] =	ssyncset.done $0x0  }
0x138: {  	[sflag:s3] =	ssyncadd.s32 $0xFFFFFCE0  }
0x139: {  	[tilespmem:s6], [sflag:$0x1] =	stream.indirect.gather [hbm4b:s4+s5], $0x40, s2, s5, $0xb8;
	[tilespmem:$0x19640] =	vst v63  }
0x13a: {  	_ =	swait.ge [sflag:s9], $0xC800  }
0x13b: {  	[sflag:s9] =	ssyncset.done $0x0  }
0x13c: {  	[sflag:s9] =	ssyncadd.s32 $0xFFFF3800  }
0x13d: {  	[hbm4b:s15+s2] =	stream.linear.scatter [tilespmem:s7], [sflag:$0x3], $0xC800, $0x38;
	[tilespmem:$0x19640] =	vst v63  }
0x13e: {  	_ =	swait.ge [sflag:s3], $0xC800  }
0x13f: {  	[sflag:s3] =	ssyncset.done $0x0  }
0x140: {  	[sflag:s3] =	ssyncadd.s32 $0xFFFF3800  }
0x141: {  	[tilespmem:s5], [sflag:$0x3] =	stream.linear.gather [hbm4b:s16+s2], $0x320, $0x38;
	[tilespmem:$0x19640] =	vst v63  }
0x142: {  	_ =	swait.ge [sflag:s3], $0x320  }
0x143: {  	[sflag:s3] =	ssyncset.done $0x0  }
0x144: {  	[sflag:s3] =	ssyncadd.s32 $0xFFFFFCE0  }
0x145: {  	[tilespmem:s7], [sflag:$0x2] =	stream.indirect.gather [hbm4b:s4+s5], $0x40, s5, s5, $0xb8;
	[tilespmem:$0x19640] =	vst v63  }
0x146: {  	_ =	swait.ge [sflag:s8], $0xC800  }
0x147: {  	[sflag:s8] =	ssyncset.done $0x0  }
0x148: {  	[sflag:s8] =	ssyncadd.s32 $0xFFFF3800  }
0x149: {  	[hbm4b:s17+s2] =	stream.linear.scatter [tilespmem:s6], [sflag:$0x3], $0xC800, $0x38;
	[tilespmem:$0x19640] =	vst v63  }
0x14a: {  	_ =	swait.ge [sflag:s3], $0xC800  }
0x14b: {  	[sflag:s3] =	ssyncset.done $0x0  }
0x14c: {  	[sflag:s3] =	ssyncadd.s32 $0xFFFF3800  }
0x14d: {  	[tilespmem:s2], [sflag:$0x3] =	stream.linear.gather [hbm4b:s18+s2], $0x320, $0x38;
	[tilespmem:$0x19640] =	vst v63  }
0x14e: {  	_ =	swait.ge [sflag:s3], $0x320  }
0x14f: {  	[sflag:s3] =	ssyncset.done $0x0  }
0x150: {  	[sflag:s3] =	ssyncadd.s32 $0xFFFFFCE0  }
0x151: {  	[tilespmem:s6], [sflag:$0x1] =	stream.indirect.gather [hbm4b:s4+s5], $0x40, s2, s5, $0xb8;
	[tilespmem:$0x19640] =	vst v63  }
0x152: {  	_ =	swait.ge [sflag:s9], $0xC800  }
0x153: {  	[sflag:s9] =	ssyncset.done $0x0  }
0x154: {  	[sflag:s9] =	ssyncadd.s32 $0xFFFF3800  }
0x155: {  	[hbm4b:s19+s2] =	stream.linear.scatter [tilespmem:s7], [sflag:$0x3], $0xC800, $0x38;
	[tilespmem:$0x19640] =	vst v63  }
0x156: {  	_ =	swait.ge [sflag:s3], $0xC800  }
0x157: {  	[sflag:s3] =	ssyncset.done $0x0  }
0x158: {  	[sflag:s3] =	ssyncadd.s32 $0xFFFF3800  }
0x159: {  	[tilespmem:s5], [sflag:$0x3] =	stream.linear.gather [hbm4b:s20+s2], $0x320, $0x38;
	[tilespmem:$0x19640] =	vst v63  }
0x15a: {  	_ =	swait.ge [sflag:s3], $0x320  }
0x15b: {  	[sflag:s3] =	ssyncset.done $0x0  }
0x15c: {  	[sflag:s3] =	ssyncadd.s32 $0xFFFFFCE0  }
0x15d: {  	[tilespmem:s7], [sflag:$0x2] =	stream.indirect.gather [hbm4b:s4+s5], $0x40, s5, s5, $0xb8;
	[tilespmem:$0x19640] =	vst v63  }
0x15e: {  	_ =	swait.ge [sflag:s8], $0xC800  }
0x15f: {  	[sflag:s8] =	ssyncset.done $0x0  }
0x160: {  	[sflag:s8] =	ssyncadd.s32 $0xFFFF3800  }
0x161: {  	[hbm4b:s21+s2] =	stream.linear.scatter [tilespmem:s6], [sflag:$0x3], $0xC800, $0x38;
	[tilespmem:$0x19640] =	vst v63  }
0x162: {  	_ =	swait.ge [sflag:s3], $0xC800  }
0x163: {  	[sflag:s3] =	ssyncset.done $0x0  }
0x164: {  	[sflag:s3] =	ssyncadd.s32 $0xFFFF3800  }
0x165: {  	[tilespmem:s2], [sflag:$0x3] =	stream.linear.gather [hbm4b:s22+s2], $0x320, $0x38;
	[tilespmem:$0x19640] =	vst v63  }
0x166: {  	_ =	swait.ge [sflag:s3], $0x320  }
0x167: {  	[sflag:s3] =	ssyncset.done $0x0  }
0x168: {  	[sflag:s3] =	ssyncadd.s32 $0xFFFFFCE0  }
0x169: {  	[tilespmem:s6], [sflag:$0x1] =	stream.indirect.gather [hbm4b:s4+s5], $0x40, s2, s5, $0xb8;
	[tilespmem:$0x19640] =	vst v63  }
0x16a: {  	_ =	swait.ge [sflag:s9], $0xC800  }
0x16b: {  	[sflag:s9] =	ssyncset.done $0x0  }
0x16c: {  	[sflag:s9] =	ssyncadd.s32 $0xFFFF3800  }
0x16d: {  	[hbm4b:s23+s2] =	stream.linear.scatter [tilespmem:s7], [sflag:$0x3], $0xC800, $0x38;
	[tilespmem:$0x19640] =	vst v63  }
0x16e: {  	_ =	swait.ge [sflag:s3], $0xC800  }
0x16f: {  	[sflag:s3] =	ssyncset.done $0x0  }
0x170: {  	[sflag:s3] =	ssyncadd.s32 $0xFFFF3800  }
0x171: {  	[tilespmem:s5], [sflag:$0x3] =	stream.linear.gather [hbm4b:s24+s2], $0x320, $0x38;
	[tilespmem:$0x19640] =	vst v63  }
0x172: {  	_ =	swait.ge [sflag:s3], $0x320  }
0x173: {  	[sflag:s3] =	ssyncset.done $0x0  }
0x174: {  	[sflag:s3] =	ssyncadd.s32 $0xFFFFFCE0  }
0x175: {  	[tilespmem:s7], [sflag:$0x2] =	stream.indirect.gather [hbm4b:s4+s5], $0x40, s5, s5, $0xb8;
	[tilespmem:$0x19640] =	vst v63  }
0x176: {  	_ =	swait.ge [sflag:s8], $0xC800  }
0x177: {  	[sflag:s8] =	ssyncset.done $0x0  }
0x178: {  	[sflag:s8] =	ssyncadd.s32 $0xFFFF3800  }
0x179: {  	[hbm4b:s25+s2] =	stream.linear.scatter [tilespmem:s6], [sflag:$0x3], $0xC800, $0x38;
	[tilespmem:$0x19640] =	vst v63  }
0x17a: {  	_ =	swait.ge [sflag:s3], $0xC800  }
0x17b: {  	[sflag:s3] =	ssyncset.done $0x0  }
0x17c: {  	[sflag:s3] =	ssyncadd.s32 $0xFFFF3800  }
0x17d: {  	[tilespmem:s2], [sflag:$0x3] =	stream.linear.gather [hbm4b:s26+s2], $0x320, $0x38;
	[tilespmem:$0x19640] =	vst v63  }
0x17e: {  	_ =	swait.ge [sflag:s3], $0x320  }
0x17f: {  	[sflag:s3] =	ssyncset.done $0x0  }
0x180: {  	[sflag:s3] =	ssyncadd.s32 $0xFFFFFCE0  }
0x181: {  	[tilespmem:s6], [sflag:$0x1] =	stream.indirect.gather [hbm4b:s4+s5], $0x40, s2, s5, $0xb8;
	[tilespmem:$0x19640] =	vst v63  }
0x182: {  	_ =	swait.ge [sflag:s9], $0xC800  }
0x183: {  	[sflag:s9] =	ssyncset.done $0x0  }
0x184: {  	[sflag:s9] =	ssyncadd.s32 $0xFFFF3800  }
0x185: {  	[hbm4b:s28+s2] =	stream.linear.scatter [tilespmem:s7], [sflag:$0x3], $0xC800, $0x38;
	[tilespmem:$0x19640] =	vst v63  }
0x186: {  	_ =	swait.ge [sflag:s3], $0xC800  }
0x187: {  	[sflag:s3] =	ssyncset.done $0x0  }
0x188: {  	[sflag:s3] =	ssyncadd.s32 $0xFFFF3800  }
0x189: {  	[tilespmem:s5], [sflag:$0x3] =	stream.linear.gather [hbm4b:s29+s2], $0x320, $0x38;
	[tilespmem:$0x19640] =	vst v63  }
0x18a: {  	_ =	swait.ge [sflag:s3], $0x320  }
0x18b: {  	[sflag:s3] =	ssyncset.done $0x0  }
0x18c: {  	[sflag:s3] =	ssyncadd.s32 $0xFFFFFCE0  }
0x18d: {  	[tilespmem:s7], [sflag:$0x2] =	stream.indirect.gather [hbm4b:s4+s5], $0x40, s5, s5, $0xb8;
	[tilespmem:$0x19640] =	vst v63  }
0x18e: {  	_ =	swait.ge [sflag:s8], $0xC800  }
0x18f: {  	[sflag:s8] =	ssyncset.done $0x0  }
0x190: {  	[sflag:s8] =	ssyncadd.s32 $0xFFFF3800  }
0x191: {  	[hbm4b:s30+s2] =	stream.linear.scatter [tilespmem:s6], [sflag:$0x3], $0xC800, $0x38;
	[tilespmem:$0x19640] =	vst v63  }
0x192: {  	_ =	swait.ge [sflag:s3], $0xC800  }
0x193: {  	[sflag:s3] =	ssyncset.done $0x0  }
0x194: {  	p0 =	sne.s32 s1, $0x1;
	[sflag:s3] =	ssyncadd.s32 $0xFFFF3800  }
.Ltmp1:
0x195: {  	_ =	swait.ge [sflag:s9], $0xC800;
	(pc) =	sbr.rel @p0 .LBB2_1-.Ltmp1, $4  }
0x196: {  	[sflag:s9] =	ssyncset.done $0x0  }
0x197: {  	[sflag:s9] =	ssyncadd.s32 $0xFFFF3800  }
0x198: {  	[hbm4b:s31+s2] =	stream.linear.scatter [tilespmem:s7], [sflag:$0x3], $0xC800, $0x38;
	[tilespmem:$0x19640] =	vst v63  }
0x199: {  	s1 =	sadd.s32 $0xFFFFFFFF, s1;
	_ =	swait.ge [sflag:s3], $0xC800  }
.LBB2_2:
0x19a: {  	[sflag:s3] =	ssyncset.done $0x0  }
0x19b: {  	[sflag:s3] =	ssyncadd.s32 $0xFFFF3800  }
0x19c: {  	_ =	sfence.sel $0x180000  }
0x19d: {  	[bflag:$0x0] =	sbarrier.arrive $0xFFFF  }
0x19e: {  	_ =	strace $0x90000047  }
0x19f: {  	s0 =	stileid.u32;
	[bflag:$0x2] =	sbarrier.arrive $0xFFFF  }
0x1a0: {  	p0 =	sne.s32 s0, $0x0;
	s0 =	rddreg [dreg:$0x3]  }
0x1a1: {  	s0 =	sadd.s32 @!p0 $0x100000, s0  }
0x1a2: {  	[sflag:s0] =	ssyncadd.tile.s32 @!p0 $0x1;
	_ =	shalt  }
.Lfunc_end2:
_tile_overlayer_lowered:
.L_overlay_start_2:
0x1a3: {  	(tag) =	ssettag $0x2  }
0x1a4: {  	s0 =	rddreg [dreg:$0x0];
	s2 =	stileid.u32  }
0x1a5: {  	s1 =	rddreg [dreg:$0x1];
	p0 =	sne.s32 s2, $0x0  }
0x1a6: {  	s3 =	rddreg [dreg:$0x2];
	[bflag:$0x3] =	sbarrier.arrive $0xFFFF;
	s2 =	simm.s32 @!p0 $0x1C03  }
0x1a7: {  	[timem:s3], [sflag:s2] =	dma.local @!p0 [hbm:s0], s1  }
0x1a8: {  	s0 =	simm.s32 @!p0 $0x3  }
0x1a9: {  	_ =	swait.ge @!p0 [sflag:s0], s1  }
0x1aa: {  	s1 =	ssub.s32 @!p0 $0x0, s1;
	[sflag:s0] =	ssyncset.done @!p0 $0x0  }
0x1ab: {  	[sflag:s0] =	ssyncadd.s32 @!p0 s1  }
0x1ac: {  	[bflag:$0x3] =	sbarrier.arrive $0xFFFF  }
0x1ad: {  	_ =	shalt  }

// kernel: sparse-core-data-format-call.1.cloned.1.call-start
scs
called_computation.1_lowered:
.L_overlay_start_0:
0x0: {  	s2 =	sld [smem:$0x3FD9]  }
0x1: {  	s3 =	sld [smem:$0x3FFE];
	_ =	sdelay $0x1  }
0x2: {  	s1 =	srdreg.scid  }
0x3: {  	s0 =	sand.u32 $0x1, s1  }
0x4: {  	s15 =	sshll.u32 s0, $0xA;
	s2 =	sadd.s32 s3, s2  }
0x5: {  	s2 =	sadd.s32 s2, s15  }
0x6: {  	[smem:$0x3FC5] =	sst s2  }
0x7: {  	_ = 	snop  }
0x8: {  	s2 =	sld [smem:$0x3FD0];
	_ =	sdelay $0x2  }
0x9: {  	s16 =	simm.s32 $0xB;
	s4 =	simm.s32 $0x10  }
0xa: {  	[smem:s4], [sflag:s16] =	dma.local [hbm:s2], $0x1  }
0xb: {  	_ =	swait.eq [sflag:s16], $0x1  }
0xc: {  	[sflag:s16] =	ssyncset.done $0x0  }
0xd: {  	[sflag:s16] =	ssyncadd.s32 $0xFFFFFFFF  }
0xe: {  	s17 =	sld [smem:$0x10];
	(tm) =	ssettm $0x1  }
0xf: {  	s18 =	sld [smem:$0x3FFB];
	_ =	sdelay $0x3  }
0x10: {  	_ =	strace s18  }
0x11: {  	s3 =	sld [smem:$0x3FFC];
	_ =	sdelay $0x3  }
0x12: {  	_ =	strace s3  }
0x13: {  	s3 =	sld [smem:$0x3FFD];
	_ =	sdelay $0x3  }
0x14: {  	_ =	strace s3  }
0x15: {  	_ =	strace $0x8FFFFFFF  }
0x16: {  	s19 =	sld [smem:$0x3FDB];
	_ =	sdelay $0x1  }
0x17: {  	s20 =	simm.s32 $_scs_section_size  }
0x18: {  	s5 =	simm.s32 $_size__tile_overlayer_lowered;
	s6 =	simm.s32 $_tile_overlayer_lowered  }
0x19: {  	s23 =	simm.s32 $0x1BFF;
	s22 =	sshll.u32 s6, $0x1;
	s3 =	sadd.s32 s20, s19  }
0x1a: {  	s7 =	simm.s32 $0x0;
	s21 =	sshll.u32 s5, $0x1;
	s5 =	sadd.s32 s22, s3  }
0x1b: {  	[timem:s7], [sflag:s23] =	dma.local [hbm:s5], s21  }
0x1c: {  	_ =	swait.ge [sflag:s23], s21  }
0x1d: {  	s4 =	ssub.s32 $0x0, s21;
	[sflag:s23] =	ssyncset.done $0x0  }
0x1e: {  	[sflag:s23] =	ssyncadd.s32 s4;
	_ =	sdelay $0x1  }
0x1f: {  	s24 =	simm.s32 $0x1B8B  }
0x20: {  	_ =	swait.ge [sflag:s24], $0x1  }
0x21: {  	[sflag:s24] =	ssyncset.done $0x0  }
0x22: {  	s26 =	simm.s32 $0x1B8E;
	s25 =	sld [smem:$0x3FFE];
	[sflag:s24] =	ssyncadd.s32 $0xFFFFFFFF  }
0x23: {  	s27 =	simm.s32 $execute0_lowered;
	[smem:$0x3FD2] =	sst s26  }
0x24: {  	s5 =	sshll.u32 s27, $0x1;
	_ =	strace $0x80000049;
	[dreg:$0x1] =	wrdreg $0xFFFFFFFF  }
0x25: {  	s28 =	simm.s32 $_size_execute0_lowered;
	s3 =	sadd.s32 s3, s5;
	[dreg:$0x0] =	wrdreg $0x0  }
0x26: {  	s5 =	sshll.u32 s28, $0x1;
	[dreg:$0x2] =	wrdreg s3  }
0x27: {  	[dreg:$0x3] =	wrdreg s5  }
0x28: {  	[dreg:$0x4] =	wrdreg $0xC0  }
0x29: {  	_ =	task [dreg:s7], $0x5FFFF  }
0x2a: {  	[dreg:$0x1] =	wrdreg $0xFFFFFFFF  }
0x2b: {  	[dreg:$0x0] =	wrdreg $0x60  }
0x2c: {  	[dreg:$0x2] =	wrdreg s25  }
0x2d: {  	[dreg:$0x3] =	wrdreg s17  }
0x2e: {  	[dreg:$0x4] =	wrdreg $0xA  }
0x2f: {  	_ =	task.clear_ibuf [dreg:s7], $0x5FFFF;
	_ =	strace $0x90000049  }
0x30: {  	s29 =	simm.s32 $0xA;
	_ =	strace $0x8000004B  }
0x31: {  	_ =	swait.ge [sflag:s29], $0x1  }
0x32: {  	[sflag:s29] =	ssyncadd.s32 $0xFFFFFFFF  }
0x33: {  	_ =	strace $0x9000004B  }
0x34: {  	_ =	sfence  }
0x35: {  	s30 =	sld [smem:$0x0];
	_ =	sdelay $0x2  }
0x36: {  	s31 =	sshll.u32 s1, $0xD;
	s1 =	sshrl.u32 s1, $0x2  }
0x37: {  	s3 =	sand.u32 $0x4000, s31;
	s1 =	sadd.s32 s1, s30  }
0x38: {  	s0 =	sor.u32 s3, s0;
	s1 =	sshll.u32 s1, $0x11  }
0x39: {  	s0 =	sor.u32 s1, s0  }
0x3a: {  	s0 =	sadd.s32 $0x8F2B, s0  }
0x3b: {  	[sflag:s0] =	ssyncadd.remote.s32 $0x1  }
0x3c: {  	_ =	sfence.sel $0xFFFF  }
0x3d: {  	[dreg:$0x0] =	wrdreg $0xFFFFFFFF;
	(pc) =	sbr.abs _section_cstart, $3  }
0x3e: {  	[dreg:$0x1] =	wrdreg $0xFFFFFFFF  }
0x3f: {  	_ =	task.clear_ibuf [dreg:s7], $0x2FFFF;
	_ =	strace $0x9FFFFFFF  }
0x40: {  	(tm) =	ssettm $0x7FFFFFFF  }
0x41: {  	_ =	shalt  }
tec
execute0_lowered:
.L_overlay_start_1:
0x0: {  	(tag) =	ssettag $0x1  }
0x1: {  	s0 =	srdreg.scid  }
0x2: {  	s1 =	sshll.u32 s0, $0x4  }
0x3: {  	s0 =	stileid.u32;
	s1 =	sand.u32 $0x10, s1  }
0x4: {  	s1 =	sor.u32 s0, s1  }
0x5: {  	s6 =	rddreg [dreg:$0x0];
	s4 =	simm.s32 $0x1;
	s2 =	sshll.u32 s1, $0x7  }
0x6: {  	s7 =	simm.s32 $0x2;
	s12 =	simm.s32 $0x0;
	s1 =	ssub.s32 $0x1000, s2  }
0x7: {  	s8 =	simm.s32 $0x8000;
	s13 =	simm.s32 $0x0;
	s3 =	sand.u32 $0xF80, s1  }
0x8: {  	s9 =	simm.s32 $0x0;
	s5 =	sshrl.u32 s1, $0xC;
	p0 =	sne.s32 s3, $0x0  }
.Ltmp0:
0x9: {  	s1 =	rddreg [dreg:$0x2];
	s4 =	simm.s32 @!p0 $0x0;
	(pc) =	sbr.rel .LBB1_1-.Ltmp0, $4  }
0xa: {  	s11 =	simm.s32 $0x0;
	s3 =	rddreg [dreg:$0x1];
	s5 =	sadd.s32 s4, s5  }
0xb: {  	_ =	strace $0x8000004A;
	s4 =	simm.s32 $0x1;
	s5 =	smul.u32 $0x32, s5  }
0xc: {  	s6 =	sadd.s32 $0x1400, s6;
	s10 =	smov.u32 s2;
	[sflag:s4] =	ssyncpa.u1 $0x0  }
0xd: {  	p0 =	por $0x0, $0x0;
	[sflag:s7] =	ssyncpa.u1 $0x0;
	s7 =	sor.u32 $0x1, s5  }
.LBB1_4:
0xe: {  	s16 =	sshll.u32 s13, $0x3;
	s17 =	sand.u32 $0x78, s13  }
0xf: {  	s30 =	sand.u32 $0x7E00, s13;
	s12 =	sshll.u32 s12, $0xF;
	s16 =	sand.u32 $0xC00, s16  }
0x10: {  	[tilespmem:s15+$0x810 ss:$0x81] =	vst.msk $0xffff, v2;
	s31 =	sand.u32 $0x7, s13;
	s16 =	sor.u32 s17, s16;
	s17 =	sadd.s32 s3, s30  }
0x11: {  	[tilespmem:s15+$0x1020 ss:$0x81] =	vst.msk $0xffff, v0;
	s13 =	sshll.u32 s31, $0x12;
	s12 =	sadd.s32 s12, s17;
	s16 =	sshrl.u32 s16, $0x3  }
0x12: {  	[tilespmem:s15+$0x0 ss:$0x81] =	vst.msk $0xffff, v1;
	s13 =	sor.u32 $0x400, s13;
	s12 =	sadd.s32 s16, s12  }
0x13: {  	[hbm4b:s12+s13] =	stream.strided.scatter [tilespmem:s14], [sflag:$0x2], $0x2000, s8, s13, $0x20;
	[tilespmem:$0x8080] =	vst v63  }
.LBB1_5:
0x14: {  	s14 =	sadd.s32 $0x1, s9  }
0x15: {  	s12 =	sadd.s32 $0x1000, s10;
	s16 =	smov.u32 s10;
	p2 =	sgt.s32 s14, $0x31  }
0x16: {  	s16 =	smov.u32 @p2 s12  }
0x17: {  	s14 =	simm.s32 @p2 $0x0;
	p2 =	sgt.s32 s16, $0xFFF  }
0x18: {  	s16 =	smov.u32 @p2 s2;
	p2 =	sne.s32 s11, s7  }
.Ltmp1:
0x19: {  	p1 =	slt.u32 s11, $0x2;
	(pc) =	sbr.rel @!p2 .LBB1_6-.Ltmp1, $4  }
0x1a: {  	s15 =	simm.s32 @!p1 $0x2  }
0x1b: {  	s13 =	smov.u32 s10;
	p0 =	por !p0, !p0;
	_ =	swait.ge @!p1 [sflag:s15], $0x2000  }
0x1c: {  	s12 =	smov.u32 s9;
	[sflag:s15] =	ssyncset.done @!p1 $0x0;
	s9 =	smov.u32 s14  }
0x1d: {  	s11 =	sadd.s32 $0x1, s11;
	[sflag:s15] =	ssyncadd.s32 @!p1 $0xFFFFE000;
	s10 =	smov.u32 s16  }
.LBB1_1:
0x1e: {  	p1 =	sge.u32 s11, s5  }
0x1f: {  	s14 =	sand.u32 @!p1 $0x1FFFFFF, s9  }
0x20: {  	s15 =	smulhi.u32 @!p1 $0x4924925, s14;
	_ =	sdelay $0x1  }
0x21: {  	s15 =	smul.u32 @!p1 $0x38, s15  }
0x22: {  	s16 =	sxor.u32 @!p1 $0xFFFFFFFF, s11;
	s17 =	smul.u32 @!p1 $0x380, s10  }
0x23: {  	s31 =	sadd.s32 $0xFFFFFFFF, s11;
	s16 =	sshll.u32 @!p1 s16, $0xD;
	s14 =	ssub.s32 @!p1 s14, s15  }
0x24: {  	s15 =	sand.u32 @!p1 $0x2000, s16;
	s16 =	sadd.s32 @!p1 s6, s17;
	s14 =	sshll.u32 @!p1 s14, $0x4  }
0x25: {  	s17 =	simm.s32 @!p1 $0x1C00;
	s14 =	sadd.s32 @!p1 s14, s16;
	s16 =	simm.s32 @!p1 $0x40  }
0x26: {  	[tilespmem:s15], [sflag:$0x1] =	stream.strided.gather @!p1 [hbm4b:s14+s16], $0x2000, s17, s16, $0x38;
	[tilespmem:$0x8080] =	vst v63  }
0x27: {  	p1 =	sge.u32 s31, s5  }
.Ltmp2:
0x28: {  	_ = 	snop;
	(pc) =	sbr.rel @p1 .LBB1_5-.Ltmp2, $1  }
0x29: {  	_ =	sdelay $0x3  }
0x2a: {  	s14 =	simm.s32 $0x1  }
0x2b: {  	_ =	swait.ge [sflag:s4], $0x2000;
	s14 =	simm.s32 @!p0 $0x0  }
0x2c: {  	[sflag:s4] =	ssyncset.done $0x0;
	s15 =	sshll.u32 s14, $0xD  }
0x2d: {  	[sflag:s4] =	ssyncadd.s32 $0xFFFFE000;
	s18 =	sor.u32 $0x20, s15  }
0x2e: {  	s14 =	smul.u32 $0x8100, s14;
	v3 =	vld [tilespmem:s18+$0x10]  }
0x2f: {  	s30 =	sand.u32 $0x1, s11;
	v2 =	vld [tilespmem:s18+$0xFFFFFFF0]  }
0x30: {  	s15 =	smul.u32 $0x8100, s30;
	s14 =	sshrl.u32 s14, $0x2;
	v0 =	vld [tilespmem:s18+$0x0]  }
0x31: {  	v1 =	vld [tilespmem:s18+$0xFFFFFFE0];
	s16 =	sor.u32 $0x4000, s14  }
0x32: {  	s31 =	sshrl.u32 s15, $0x2;
	s15 =	sadd.s32 $0x0, s16  }
0x33: {  	s17 =	simm.s32 $0x4;
	s18 =	sadd.s32 $0x40, s18;
	s14 =	sor.u32 $0x4000, s31;
	[tilespmem:s15+$0x1830 ss:$0x81] =	vst.msk $0xffff, v3  }
.LBB1_3:
0x34: {  	v3 =	vld [tilespmem:s18+$0x10];
	p1 =	sne.s32 s17, $0x1FC;
	[tilespmem:s15+$0x810 ss:$0x81] =	vst.msk $0xffff, v2;
	s19 =	smov.u32 s17;
	s17 =	sadd.s32 $0x4, s17  }
.Ltmp3:
0x35: {  	v2 =	vld [tilespmem:s18+$0xFFFFFFF0];
	[tilespmem:s15+$0x1020 ss:$0x81] =	vst.msk $0xffff, v0;
	(pc) =	sbr.rel @p1 .LBB1_3-.Ltmp3, $4  }
0x36: {  	v0 =	vld [tilespmem:s18+$0x0];
	[tilespmem:s15+$0x0 ss:$0x81] =	vst.msk $0xffff, v1  }
0x37: {  	s15 =	sshra.s32 s19, $0x2;
	v1 =	vld [tilespmem:s18+$0xFFFFFFE0]  }
0x38: {  	s15 =	sadd.s32 s15, s16  }
0x39: {  	s18 =	sadd.s32 $0x40, s18;
	[tilespmem:s15+$0x1830 ss:$0x81] =	vst.msk $0xffff, v3  }
.Ltmp4:
0x3a: {  	_ = 	snop;
	(pc) =	sbr.rel .LBB1_4-.Ltmp4, $1  }
0x3b: {  	_ =	sdelay $0x3  }
.LBB1_6:
0x3c: {  	_ =	sfence.sel $0x180000  }
0x3d: {  	s2 =	simm.s32 $0x1;
	[bflag:$0x0] =	sbarrier.arrive $0xFFFF  }
0x3e: {  	s31 =	simm.s32 $0x2;
	[sflag:s2] =	ssyncpa.u1 $0x1  }
0x3f: {  	[sflag:s31] =	ssyncpa.u1 $0x1  }
0x40: {  	p0 =	sne.s32 s0, $0x0;
	_ =	strace $0x9000004A  }
0x41: {  	s0 =	sadd.s32 @!p0 $0x100000, s1;
	[bflag:$0x2] =	sbarrier.arrive $0xFFFF  }
0x42: {  	[sflag:s0] =	ssyncadd.tile.s32 @!p0 $0x1;
	_ =	shalt  }
.Lfunc_end1:
_tile_overlayer_lowered:
.L_overlay_start_2:
0x43: {  	(tag) =	ssettag $0x2  }
0x44: {  	s0 =	rddreg [dreg:$0x0];
	s2 =	stileid.u32  }
0x45: {  	s1 =	rddreg [dreg:$0x1];
	p0 =	sne.s32 s2, $0x0  }
0x46: {  	s3 =	rddreg [dreg:$0x2];
	[bflag:$0x3] =	sbarrier.arrive $0xFFFF;
	s2 =	simm.s32 @!p0 $0x1C01  }
0x47: {  	[timem:s3], [sflag:s2] =	dma.local @!p0 [hbm:s0], s1  }
0x48: {  	s0 =	simm.s32 @!p0 $0x1  }
0x49: {  	_ =	swait.ge @!p0 [sflag:s0], s1  }
0x4a: {  	s1 =	ssub.s32 @!p0 $0x0, s1;
	[sflag:s0] =	ssyncset.done @!p0 $0x0  }
0x4b: {  	[sflag:s0] =	ssyncadd.s32 @!p0 s1  }
0x4c: {  	[bflag:$0x3] =	sbarrier.arrive $0xFFFF  }
0x4d: {  	_ =	shalt  }

// kernel: sparse-core-data-format-call.cloned.1.call-start
scs
called_computation_lowered:
.L_overlay_start_0:
0x0: {  	s2 =	sld [smem:$0x3FD9]  }
0x1: {  	s3 =	sld [smem:$0x3FFE];
	_ =	sdelay $0x1  }
0x2: {  	s1 =	srdreg.scid  }
0x3: {  	s0 =	sand.u32 $0x1, s1  }
0x4: {  	s16 =	sshll.u32 s0, $0xA;
	s2 =	sadd.s32 s3, s2  }
0x5: {  	s2 =	sadd.s32 s2, s16  }
0x6: {  	[smem:$0x3FC5] =	sst s2  }
0x7: {  	_ = 	snop  }
0x8: {  	s2 =	sld [smem:$0x3FD0];
	_ =	sdelay $0x2  }
0x9: {  	s17 =	simm.s32 $0xB;
	s4 =	simm.s32 $0x10  }
0xa: {  	[smem:s4], [sflag:s17] =	dma.local [hbm:s2], $0x1  }
0xb: {  	_ =	swait.eq [sflag:s17], $0x1  }
0xc: {  	[sflag:s17] =	ssyncset.done $0x0  }
0xd: {  	[sflag:s17] =	ssyncadd.s32 $0xFFFFFFFF  }
0xe: {  	s18 =	sld [smem:$0x11];
	(tm) =	ssettm $0x1  }
0xf: {  	s19 =	sld [smem:$0x3FFB];
	_ =	sdelay $0x3  }
0x10: {  	_ =	strace s19  }
0x11: {  	s2 =	sld [smem:$0x3FFC];
	_ =	sdelay $0x3  }
0x12: {  	_ =	strace s2  }
0x13: {  	s2 =	sld [smem:$0x3FFD];
	_ =	sdelay $0x3  }
0x14: {  	_ =	strace s2  }
0x15: {  	_ =	strace $0x8FFFFFFF  }
0x16: {  	s20 =	sld [smem:$0x3FDB];
	_ =	sdelay $0x1  }
0x17: {  	s21 =	simm.s32 $_scs_section_size  }
0x18: {  	s5 =	simm.s32 $_size__tile_overlayer_lowered;
	s6 =	simm.s32 $_tile_overlayer_lowered  }
0x19: {  	s7 =	simm.s32 $0x1BFF;
	s22 =	sshll.u32 s6, $0x1;
	s4 =	sadd.s32 s21, s20  }
0x1a: {  	s23 =	simm.s32 $0x0;
	s5 =	sshll.u32 s5, $0x1;
	s6 =	sadd.s32 s22, s4  }
0x1b: {  	[timem:s23], [sflag:s7] =	dma.local [hbm:s6], s5  }
0x1c: {  	_ =	swait.ge [sflag:s7], s5  }
0x1d: {  	s5 =	ssub.s32 $0x0, s5;
	[sflag:s7] =	ssyncset.done $0x0  }
0x1e: {  	[sflag:s7] =	ssyncadd.s32 s5;
	_ =	sdelay $0x1  }
0x1f: {  	s24 =	simm.s32 $0x1B8B  }
0x20: {  	_ =	swait.ge [sflag:s24], $0x1  }
0x21: {  	[sflag:s24] =	ssyncset.done $0x0  }
0x22: {  	[sflag:s24] =	ssyncadd.s32 $0xFFFFFFFF  }
0x23: {  	s5 =	sld [smem:$0x0]  }
0x24: {  	s6 =	sand.u32 $0xFFFFFFFE, s1  }
0x25: {  	p0 =	sne.s32 s1, s6  }
0x26: {  	s6 =	sshll.u32 @p0 s6, $0xE  }
0x27: {  	s6 =	sadd.s32 @p0 $0x11B8D, s6;
	s7 =	sshll.u32 @p0 s5, $0x11  }
0x28: {  	s6 =	sor.u32 @p0 s7, s6  }
0x29: {  	[sflag:s6] =	ssyncadd.remote.s32 @p0 $0x1;
	_ =	sdelay $0x1  }
0x2a: {  	s6 =	simm.s32 @p0 $0x1B8D  }
0x2b: {  	_ =	swait.eq @p0 [sflag:s6], $0x1  }
0x2c: {  	[sflag:s6] =	ssyncadd.s32 @p0 $0xFFFFFFFF  }
0x2d: {  	s7 =	sshll.u32 @!p0 s1, $0xE  }
0x2e: {  	s7 =	sor.u32 @!p0 $0x4000, s7;
	s6 =	simm.s32 @!p0 $0x1B8D  }
0x2f: {  	s5 =	sshll.u32 @!p0 s5, $0x11;
	s7 =	sadd.s32 @!p0 $0x11B8D, s7;
	_ =	swait.eq @!p0 [sflag:s6], $0x1  }
0x30: {  	s5 =	sor.u32 @!p0 s5, s7;
	[sflag:s6] =	ssyncadd.s32 @!p0 $0xFFFFFFFF  }
0x31: {  	s26 =	simm.s32 $0x1B8E;
	s25 =	sld [smem:$0x3FFE];
	[sflag:s5] =	ssyncadd.remote.s32 @!p0 $0x1  }
0x32: {  	s27 =	simm.s32 $execute0_lowered;
	[smem:$0x3FD2] =	sst s26  }
0x33: {  	s6 =	sshll.u32 s27, $0x1;
	_ =	strace $0x8000004C;
	[dreg:$0x1] =	wrdreg $0xFFFFFFFF  }
0x34: {  	s28 =	simm.s32 $_size_execute0_lowered;
	s4 =	sadd.s32 s4, s6;
	[dreg:$0x0] =	wrdreg $0x0  }
0x35: {  	s6 =	sshll.u32 s28, $0x1;
	[dreg:$0x2] =	wrdreg s4  }
0x36: {  	[dreg:$0x3] =	wrdreg s6  }
0x37: {  	[dreg:$0x4] =	wrdreg $0xC0  }
0x38: {  	_ =	task [dreg:s23], $0x5FFFF  }
0x39: {  	[dreg:$0x1] =	wrdreg $0xFFFFFFFF  }
0x3a: {  	[dreg:$0x0] =	wrdreg $0x60  }
0x3b: {  	[dreg:$0x2] =	wrdreg s25  }
0x3c: {  	[dreg:$0x3] =	wrdreg s18  }
0x3d: {  	[dreg:$0x4] =	wrdreg $0x9  }
0x3e: {  	_ =	task.clear_ibuf [dreg:s23], $0x5FFFF;
	_ =	strace $0x9000004C  }
0x3f: {  	s29 =	simm.s32 $0x9;
	_ =	strace $0x8000004E  }
0x40: {  	_ =	swait.ge [sflag:s29], $0x1  }
0x41: {  	[sflag:s29] =	ssyncadd.s32 $0xFFFFFFFF  }
0x42: {  	_ =	strace $0x9000004E  }
0x43: {  	_ =	sfence  }
0x44: {  	s30 =	sld [smem:$0x0];
	_ =	sdelay $0x2  }
0x45: {  	s31 =	sshll.u32 s1, $0xD;
	s1 =	sshrl.u32 s1, $0x2  }
0x46: {  	s4 =	sand.u32 $0x4000, s31;
	s1 =	sadd.s32 s1, s30  }
0x47: {  	s0 =	sor.u32 s4, s0;
	s1 =	sshll.u32 s1, $0x11  }
0x48: {  	s0 =	sor.u32 s1, s0  }
0x49: {  	s0 =	sadd.s32 $0x8F2B, s0  }
0x4a: {  	[sflag:s0] =	ssyncadd.remote.s32 $0x1  }
0x4b: {  	_ =	sfence.sel $0xFFFF  }
0x4c: {  	[dreg:$0x0] =	wrdreg $0xFFFFFFFF;
	(pc) =	sbr.abs _section_cstart, $3  }
0x4d: {  	[dreg:$0x1] =	wrdreg $0xFFFFFFFF  }
0x4e: {  	_ =	task.clear_ibuf [dreg:s23], $0x2FFFF;
	_ =	strace $0x9FFFFFFF  }
0x4f: {  	(tm) =	ssettm $0x7FFFFFFF  }
tec
execute0_lowered:
.L_overlay_start_1:
0x0: {  	(tag) =	ssettag $0x1  }
0x1: {  	s0 =	srdreg.scid  }
0x2: {  	s1 =	sshll.u32 s0, $0x4  }
0x3: {  	s0 =	stileid.u32;
	s1 =	sand.u32 $0x10, s1  }
0x4: {  	s1 =	sor.u32 s0, s1  }
0x5: {  	s6 =	rddreg [dreg:$0x0];
	s4 =	simm.s32 $0x1;
	s2 =	sshll.u32 s1, $0x7  }
0x6: {  	s7 =	simm.s32 $0x2;
	s12 =	simm.s32 $0x0;
	s1 =	ssub.s32 $0x1000, s2  }
0x7: {  	s8 =	simm.s32 $0x8000;
	s13 =	simm.s32 $0x0;
	s3 =	sand.u32 $0xF80, s1  }
0x8: {  	s9 =	simm.s32 $0x0;
	s5 =	sshrl.u32 s1, $0xC;
	p0 =	sne.s32 s3, $0x0  }
.Ltmp0:
0x9: {  	s1 =	rddreg [dreg:$0x2];
	s4 =	simm.s32 @!p0 $0x0;
	(pc) =	sbr.rel .LBB1_1-.Ltmp0, $4  }
0xa: {  	s11 =	simm.s32 $0x0;
	s3 =	rddreg [dreg:$0x1];
	s5 =	sadd.s32 s4, s5  }
0xb: {  	_ =	strace $0x8000004D;
	s4 =	simm.s32 $0x1;
	s5 =	smul.u32 $0x32, s5  }
0xc: {  	s6 =	sadd.s32 $0x381400, s6;
	s10 =	smov.u32 s2;
	[sflag:s4] =	ssyncpa.u1 $0x0  }
0xd: {  	p0 =	por $0x0, $0x0;
	[sflag:s7] =	ssyncpa.u1 $0x0;
	s7 =	sor.u32 $0x1, s5  }
.LBB1_4:
0xe: {  	s16 =	sshll.u32 s13, $0x3;
	s17 =	sand.u32 $0x78, s13  }
0xf: {  	s30 =	sand.u32 $0x7E00, s13;
	s12 =	sshll.u32 s12, $0xF;
	s16 =	sand.u32 $0xC00, s16  }
0x10: {  	[tilespmem:s15+$0x810 ss:$0x81] =	vst.msk $0xffff, v2;
	s31 =	sand.u32 $0x7, s13;
	s16 =	sor.u32 s17, s16;
	s17 =	sadd.s32 s3, s30  }
0x11: {  	[tilespmem:s15+$0x1020 ss:$0x81] =	vst.msk $0xffff, v0;
	s13 =	sshll.u32 s31, $0x12;
	s12 =	sadd.s32 s12, s17;
	s16 =	sshrl.u32 s16, $0x3  }
0x12: {  	[tilespmem:s15+$0x0 ss:$0x81] =	vst.msk $0xffff, v1;
	s13 =	sor.u32 $0x400, s13;
	s12 =	sadd.s32 s16, s12  }
0x13: {  	[hbm4b:s12+s13] =	stream.strided.scatter [tilespmem:s14], [sflag:$0x2], $0x2000, s8, s13, $0x20;
	[tilespmem:$0x8080] =	vst v63  }
.LBB1_5:
0x14: {  	s14 =	sadd.s32 $0x1, s9  }
0x15: {  	s12 =	sadd.s32 $0x1000, s10;
	s16 =	smov.u32 s10;
	p2 =	sgt.s32 s14, $0x31  }
0x16: {  	s16 =	smov.u32 @p2 s12  }
0x17: {  	s14 =	simm.s32 @p2 $0x0;
	p2 =	sgt.s32 s16, $0xFFF  }
0x18: {  	s16 =	smov.u32 @p2 s2;
	p2 =	sne.s32 s11, s7  }
.Ltmp1:
0x19: {  	p1 =	slt.u32 s11, $0x2;
	(pc) =	sbr.rel @!p2 .LBB1_6-.Ltmp1, $4  }
0x1a: {  	s15 =	simm.s32 @!p1 $0x2  }
0x1b: {  	s13 =	smov.u32 s10;
	p0 =	por !p0, !p0;
	_ =	swait.ge @!p1 [sflag:s15], $0x2000  }
0x1c: {  	s12 =	smov.u32 s9;
	[sflag:s15] =	ssyncset.done @!p1 $0x0;
	s9 =	smov.u32 s14  }
0x1d: {  	s11 =	sadd.s32 $0x1, s11;
	[sflag:s15] =	ssyncadd.s32 @!p1 $0xFFFFE000;
	s10 =	smov.u32 s16  }
.LBB1_1:
0x1e: {  	p1 =	sge.u32 s11, s5  }
0x1f: {  	s14 =	sand.u32 @!p1 $0x1FFFFFF, s9  }
0x20: {  	s15 =	smulhi.u32 @!p1 $0x4924925, s14;
	_ =	sdelay $0x1  }
0x21: {  	s15 =	smul.u32 @!p1 $0x38, s15  }
0x22: {  	s16 =	sxor.u32 @!p1 $0xFFFFFFFF, s11;
	s17 =	smul.u32 @!p1 $0x380, s10  }
0x23: {  	s31 =	sadd.s32 $0xFFFFFFFF, s11;
	s16 =	sshll.u32 @!p1 s16, $0xD;
	s14 =	ssub.s32 @!p1 s14, s15  }
0x24: {  	s15 =	sand.u32 @!p1 $0x2000, s16;
	s16 =	sadd.s32 @!p1 s6, s17;
	s14 =	sshll.u32 @!p1 s14, $0x4  }
0x25: {  	s17 =	simm.s32 @!p1 $0x1C00;
	s14 =	sadd.s32 @!p1 s14, s16;
	s16 =	simm.s32 @!p1 $0x40  }
0x26: {  	[tilespmem:s15], [sflag:$0x1] =	stream.strided.gather @!p1 [hbm4b:s14+s16], $0x2000, s17, s16, $0x38;
	[tilespmem:$0x8080] =	vst v63  }
0x27: {  	p1 =	sge.u32 s31, s5  }
.Ltmp2:
0x28: {  	_ = 	snop;
	(pc) =	sbr.rel @p1 .LBB1_5-.Ltmp2, $1  }
0x29: {  	_ =	sdelay $0x3  }
0x2a: {  	s14 =	simm.s32 $0x1  }
0x2b: {  	_ =	swait.ge [sflag:s4], $0x2000;
	s14 =	simm.s32 @!p0 $0x0  }
0x2c: {  	[sflag:s4] =	ssyncset.done $0x0;
	s15 =	sshll.u32 s14, $0xD  }
0x2d: {  	[sflag:s4] =	ssyncadd.s32 $0xFFFFE000;
	s18 =	sor.u32 $0x20, s15  }
0x2e: {  	s14 =	smul.u32 $0x8100, s14;
	v3 =	vld [tilespmem:s18+$0x10]  }
0x2f: {  	s30 =	sand.u32 $0x1, s11;
	v2 =	vld [tilespmem:s18+$0xFFFFFFF0]  }
0x30: {  	s15 =	smul.u32 $0x8100, s30;
	s14 =	sshrl.u32 s14, $0x2;
	v0 =	vld [tilespmem:s18+$0x0]  }
0x31: {  	v1 =	vld [tilespmem:s18+$0xFFFFFFE0];
	s16 =	sor.u32 $0x4000, s14  }
0x32: {  	s31 =	sshrl.u32 s15, $0x2;
	s15 =	sadd.s32 $0x0, s16  }
0x33: {  	s17 =	simm.s32 $0x4;
	s18 =	sadd.s32 $0x40, s18;
	s14 =	sor.u32 $0x4000, s31;
	[tilespmem:s15+$0x1830 ss:$0x81] =	vst.msk $0xffff, v3  }
.LBB1_3:
0x34: {  	v3 =	vld [tilespmem:s18+$0x10];
	p1 =	sne.s32 s17, $0x1FC;
	[tilespmem:s15+$0x810 ss:$0x81] =	vst.msk $0xffff, v2;
	s19 =	smov.u32 s17;
	s17 =	sadd.s32 $0x4, s17  }
.Ltmp3:
0x35: {  	v2 =	vld [tilespmem:s18+$0xFFFFFFF0];
	[tilespmem:s15+$0x1020 ss:$0x81] =	vst.msk $0xffff, v0;
	(pc) =	sbr.rel @p1 .LBB1_3-.Ltmp3, $4  }
0x36: {  	v0 =	vld [tilespmem:s18+$0x0];
	[tilespmem:s15+$0x0 ss:$0x81] =	vst.msk $0xffff, v1  }
0x37: {  	s15 =	sshra.s32 s19, $0x2;
	v1 =	vld [tilespmem:s18+$0xFFFFFFE0]  }
0x38: {  	s15 =	sadd.s32 s15, s16  }
0x39: {  	s18 =	sadd.s32 $0x40, s18;
	[tilespmem:s15+$0x1830 ss:$0x81] =	vst.msk $0xffff, v3  }
.Ltmp4:
0x3a: {  	_ = 	snop;
	(pc) =	sbr.rel .LBB1_4-.Ltmp4, $1  }
0x3b: {  	_ =	sdelay $0x3  }
.LBB1_6:
0x3c: {  	_ =	sfence.sel $0x180000  }
0x3d: {  	s2 =	simm.s32 $0x1;
	[bflag:$0x0] =	sbarrier.arrive $0xFFFF  }
0x3e: {  	s31 =	simm.s32 $0x2;
	[sflag:s2] =	ssyncpa.u1 $0x1  }
0x3f: {  	[sflag:s31] =	ssyncpa.u1 $0x1  }
0x40: {  	p0 =	sne.s32 s0, $0x0;
	_ =	strace $0x9000004D  }
0x41: {  	s0 =	sadd.s32 @!p0 $0x100000, s1;
	[bflag:$0x2] =	sbarrier.arrive $0xFFFF  }
0x42: {  	[sflag:s0] =	ssyncadd.tile.s32 @!p0 $0x1;
	_ =	shalt  }
.Lfunc_end1:
_tile_overlayer_lowered:
.L_overlay_start_2:
0x43: {  	(tag) =	ssettag $0x2  }
0x44: {  	s0 =	rddreg [dreg:$0x0];
	s2 =	stileid.u32  }
0x45: {  	s1 =	rddreg [dreg:$0x1];
	p0 =	sne.s32 s2, $0x0  }
0x46: {  	s3 =	rddreg [dreg:$0x2];
	[bflag:$0x3] =	sbarrier.arrive $0xFFFF;
	s2 =	simm.s32 @!p0 $0x1C01  }
0x47: {  	[timem:s3], [sflag:s2] =	dma.local @!p0 [hbm:s0], s1  }
0x48: {  	s0 =	simm.s32 @!p0 $0x1  }
0x49: {  	_ =	swait.ge @!p0 [sflag:s0], s1  }
0x4a: {  	s1 =	ssub.s32 @!p0 $0x0, s1;
	[sflag:s0] =	ssyncset.done @!p0 $0x0  }
0x4b: {  	[sflag:s0] =	ssyncadd.s32 @!p0 s1  }
0x4c: {  	[bflag:$0x3] =	sbarrier.arrive $0xFFFF  }
0x4d: {  	_ =	shalt  }

</sc_bundles>
